<compile_context>
chip_gen: v7x
topology: tpu7x:2x2x1
jax: 0.10.2.dev20260603
libtpu: 0.0.44.dev20260713+nightly
codegen_flags: <defaults>
</compile_context>

<pallas_src>
import functools

import jax
import jax.numpy as jnp
from jax import lax
from jax.experimental import pallas as pl
from jax.experimental.pallas import tpu as pltpu
from jax.experimental.pallas import tpu_sc as plsc

S, D, H, E = 2048, 1024, 4096, 8
BT = 128
SP = S + E * BT
NPB = SP // BT
NPB_PAD = 32
TH = 2048
NH = H // TH
EPAD = 128
RB = 256
PLANES = 128

_NEG = -1e30


def _router_body(x_ref, wr_ref, br_ref, rank_ref, prob_ref, emap_ref, nblk_ref):
    x = x_ref[...]
    logits = jnp.dot(x, wr_ref[...], preferred_element_type=jnp.float32)
    logits = logits + br_ref[...]
    m = jnp.max(logits, axis=1, keepdims=True)
    el = jnp.exp(logits - m)
    den = jnp.sum(el, axis=1, keepdims=True)
    top_prob = jnp.max(el, axis=1, keepdims=True) / den
    prob_ref[...] = jnp.broadcast_to(top_prob, (S, PLANES))

    lane = lax.broadcasted_iota(jnp.int32, (S, EPAD), 1).astype(jnp.float32)
    idx = jnp.min(jnp.where(logits >= m, lane, float(EPAD)), axis=1, keepdims=True)
    onehot = (lane == idx).astype(jnp.float32)

    r = lax.broadcasted_iota(jnp.int32, (RB, RB), 0)
    c = lax.broadcasted_iota(jnp.int32, (RB, RB), 1)
    tri = (c < r).astype(jnp.float32)
    carry = jnp.zeros((1, EPAD), jnp.float32)
    within_blocks = []
    for b in range(S // RB):
        blk = onehot[b * RB:(b + 1) * RB, :]
        within_blocks.append(
            jnp.dot(tri, blk, preferred_element_type=jnp.float32) + carry)
        carry = carry + jnp.sum(blk, axis=0, keepdims=True)
    within = jnp.concatenate(within_blocks, axis=0)

    counts = carry
    padded = jnp.floor((counts + (BT - 1)) / BT) * BT
    rr = lax.broadcasted_iota(jnp.int32, (EPAD, EPAD), 0)
    cc = lax.broadcasted_iota(jnp.int32, (EPAD, EPAD), 1)
    tri_e = (rr < cc).astype(jnp.float32)
    astart = jnp.dot(padded, tri_e, preferred_element_type=jnp.float32)

    rank_f = jnp.sum(onehot * (within + astart), axis=1, keepdims=True)
    rank_ref[...] = rank_f.astype(jnp.int32)

    pb = lax.broadcasted_iota(jnp.int32, (NPB_PAD, EPAD), 0).astype(jnp.float32) * BT
    alane = lax.broadcasted_iota(jnp.int32, (NPB_PAD, EPAD), 1).astype(jnp.float32)
    cmp = jnp.logical_and(astart <= pb, alane < E).astype(jnp.float32)
    emap_ref[...] = (jnp.sum(cmp, axis=1, keepdims=True) - 1.0).astype(jnp.int32)
    nblk_ref[...] = (jnp.sum(padded, keepdims=True).reshape(1, 1) / BT).astype(jnp.int32)


def _router(xs, wr_pad, br_pad, interpret=False):
    return pl.pallas_call(
        _router_body,
        out_shape=(
            jax.ShapeDtypeStruct((S, 1), jnp.int32),
            jax.ShapeDtypeStruct((S, PLANES), jnp.float32),
            jax.ShapeDtypeStruct((NPB_PAD, 1), jnp.int32),
            jax.ShapeDtypeStruct((1, 1), jnp.int32),
        ),
        interpret=interpret,
    )(xs, wr_pad, br_pad)


def _ffn_body(emap_ref, x_ref, p_ref, w1_ref, b1_ref, w2_ref, b2_ref, out_ref):
    del emap_ref
    h = pl.program_id(0)
    t = pl.program_id(1)
    rows = pl.ds(t * BT, BT)
    xb = x_ref[rows, :]
    a = jnp.dot(xb, w1_ref[0], preferred_element_type=jnp.float32) + b1_ref[0]
    a = 0.5 * a * (1.0 + lax.erf(a * 0.7071067811865476))
    part = jnp.dot(a, w2_ref[0], preferred_element_type=jnp.float32)
    p = p_ref[:, 0:1]

    if NH == 1:
        out_ref[rows, :] = (part + b2_ref[0]) * p
    else:
        @pl.when(h == 0)
        def _():
            out_ref[rows, :] = part + b2_ref[0]

        @pl.when(jnp.logical_and(h > 0, h < NH - 1))
        def _():
            out_ref[rows, :] = out_ref[rows, :] + part

        @pl.when(h == NH - 1)
        def _():
            out_ref[rows, :] = (out_ref[rows, :] + part) * p


def _ffn(x_sorted, prob_sorted, w1, b1, w2, b2, emap, nblk, interpret=False):
    grid_spec = pltpu.PrefetchScalarGridSpec(
        num_scalar_prefetch=1,
        grid=(NH, nblk),
        in_specs=[
            pl.BlockSpec((SP, D), lambda h, t, em: (0, 0)),
            pl.BlockSpec((BT, PLANES), lambda h, t, em: (t, 0)),
            pl.BlockSpec((1, D, TH), lambda h, t, em: (em[t], 0, h)),
            pl.BlockSpec((1, 1, TH), lambda h, t, em: (em[t], 0, h)),
            pl.BlockSpec((1, TH, D), lambda h, t, em: (em[t], h, 0)),
            pl.BlockSpec((1, 1, D), lambda h, t, em: (em[t], 0, 0)),
        ],
        out_specs=pl.BlockSpec((SP, D), lambda h, t, em: (0, 0)),
    )
    return pl.pallas_call(
        _ffn_body,
        grid_spec=grid_spec,
        out_shape=jax.ShapeDtypeStruct((SP, D), jnp.float32),
        compiler_params=pltpu.CompilerParams(
            dimension_semantics=("arbitrary", "arbitrary"),
            vmem_limit_bytes=63 * 1024 * 1024,
        ),
        interpret=interpret,
    )(emap, x_sorted, prob_sorted, w1, b1.reshape(E, 1, H), w2,
      b2.reshape(E, 1, D))


NW = 32
CH = S // NW


@functools.cache
def _sc_kernels():
    mesh = plsc.VectorSubcoreMesh(core_axis_name="c", subcore_axis_name="s")
    nc = mesh.num_cores
    scratch = [
        pltpu.VMEM((CH,), jnp.int32),
        pltpu.VMEM((CH, D), jnp.float32),
        pltpu.SemaphoreType.DMA,
    ]

    @functools.partial(
        pl.kernel,
        out_type=(
            jax.ShapeDtypeStruct((SP, D), jnp.float32),
            jax.ShapeDtypeStruct((SP, PLANES), jnp.float32),
        ),
        mesh=mesh,
        scratch_types=scratch + [
            pltpu.VMEM((CH, PLANES), jnp.float32),
            pltpu.SemaphoreType.DMA,
        ],
    )
    def sc_scatter(x_hbm, rank_hbm, p_hbm, out_hbm, pout_hbm,
                   idx_v, rows_v, sem, p_v, sem2):
        wid = lax.axis_index("s") * nc + lax.axis_index("c")
        base = wid * CH
        ld_x = pltpu.async_copy(x_hbm.at[pl.ds(base, CH)], rows_v, sem)
        ld_p = pltpu.async_copy(p_hbm.at[pl.ds(base, CH)], p_v, sem2)
        pltpu.sync_copy(rank_hbm.at[pl.ds(base, CH)], idx_v)
        ld_x.wait()
        ld_p.wait()
        cp1 = pltpu.async_copy(rows_v, out_hbm.at[idx_v], sem)
        cp2 = pltpu.async_copy(p_v, pout_hbm.at[idx_v], sem2)
        cp1.wait()
        cp2.wait()

    @functools.partial(
        pl.kernel,
        out_type=jax.ShapeDtypeStruct((S, D), jnp.float32),
        mesh=mesh,
        scratch_types=scratch,
    )
    def sc_gather(y_hbm, rank_hbm, out_hbm, idx_v, rows_v, sem):
        wid = lax.axis_index("s") * nc + lax.axis_index("c")
        base = wid * CH
        pltpu.sync_copy(rank_hbm.at[pl.ds(base, CH)], idx_v)
        pltpu.async_copy(y_hbm.at[idx_v], rows_v, sem).wait()
        pltpu.sync_copy(rows_v, out_hbm.at[pl.ds(base, CH)])

    return sc_scatter, sc_gather


@jax.jit
def kernel(x, Wr, br, W1, b1, W2, b2):
    xs = x.reshape(S, D)
    wr_pad = jnp.zeros((D, EPAD), jnp.float32).at[:, :E].set(Wr)
    br_pad = jnp.full((1, EPAD), _NEG, jnp.float32).at[0, :E].set(br)

    rank2, prob, emap2, nblk2 = _router(xs, wr_pad, br_pad)
    rank = rank2.reshape(S)
    emap = emap2.reshape(NPB_PAD)
    nblk = nblk2[0, 0]

    sc_scatter, sc_gather = _sc_kernels()
    x_sorted, prob_sorted = sc_scatter(xs, rank, prob)
    y_sorted = _ffn(x_sorted, prob_sorted, W1, b1, W2, b2, emap, nblk)
    out = sc_gather(y_sorted, rank)
    return out.reshape(x.shape)

# --- scband reference (transcript-rebuilt; emitter-appended) ---
"""Pipeline reference for scband-top1-mo-e-33621003993528 (READ-ONLY COPY).

The authoritative reference and input builder live on the scoring server;
editing this copy changes nothing except your own understanding.
"""

import jax, jax.numpy as jnp
import numpy as np

B, S, D, H, E = 1, 2048, 1024, 4096, 8

def setup_inputs(seed: int = 0) -> dict:
    key = jax.random.key(seed)
    ks = jax.random.split(key, 9)
    x = jax.random.normal(ks[0], (B, S, D), dtype=jnp.float32)
    s_r = 1.0 / np.sqrt(D)
    Wr = jax.random.uniform(ks[1], (D, E), minval=-s_r, maxval=s_r, dtype=jnp.float32)
    br = jax.random.uniform(ks[2], (E,), minval=-s_r, maxval=s_r, dtype=jnp.float32)
    s1 = 1.0 / np.sqrt(D)
    W1 = jax.random.uniform(ks[3], (E, D, H), minval=-s1, maxval=s1, dtype=jnp.float32)
    b1 = jax.random.uniform(ks[4], (E, H), minval=-s1, maxval=s1, dtype=jnp.float32)
    s2 = 1.0 / np.sqrt(H)
    W2 = jax.random.uniform(ks[5], (E, H, D), minval=-s2, maxval=s2, dtype=jnp.float32)
    b2 = jax.random.uniform(ks[6], (E, D), minval=-s2, maxval=s2, dtype=jnp.float32)
    return {"x": x, "Wr": Wr, "br": br, "W1": W1, "b1": b1, "W2": W2, "b2": b2}

def reference(x, Wr, br, W1, b1, W2, b2):
    router_logits = jnp.einsum('bsd,de->bse', x, Wr) + br
    router_probs = jax.nn.softmax(router_logits, axis=-1)
    top_probs = jnp.max(router_probs, axis=-1, keepdims=True)
    top_indices = jnp.argmax(router_probs, axis=-1, keepdims=True)
    # dense expert computation, stacked on axis 2: [B, S, E, D]
    h = jnp.einsum('bsd,edh->bseh', x, W1) + b1
    a = jax.nn.gelu(h, approximate=False)
    expert_outputs = jnp.einsum('bseh,ehd->bsed', a, W2) + b2
    gather_index = jnp.broadcast_to(top_indices[..., None], (x.shape[0], x.shape[1], 1, x.shape[2]))
    chosen = jnp.take_along_axis(expert_outputs, gather_index, axis=2).squeeze(2)
    # dropout p=0.0 -> identity
    return chosen * top_probs

if __name__ == "__main__":
    import jax
    _d = setup_inputs()
    print(jax.jit(kernel)(*tuple(_d.values())))

</pallas_src>

<mosaic_0001>
#map = affine_map<(d0, d1) -> (0, 0)>
#map1 = affine_map<(d0, d1) -> (0)>
module attributes {stable_mosaic.version = 14 : i64} {
  func.func @sc_scatter(%arg0: i32, %arg1: i32, %arg2: memref<2048x1024xf32, #tpu.memory_space<hbm>>, %arg3: memref<2048xi32, #tpu.memory_space<hbm>>, %arg4: memref<2048x128xf32, #tpu.memory_space<hbm>>, %arg5: memref<3072x1024xf32, #tpu.memory_space<hbm>>, %arg6: memref<3072x128xf32, #tpu.memory_space<hbm>>, %arg7: memref<64xi32, #tpu.memory_space<vmem>>, %arg8: memref<64x1024xf32, #tpu.memory_space<vmem>>, %arg9: memref<!tpu.dma_semaphore, #tpu.memory_space<semaphore_mem>>, %arg10: memref<64x128xf32, #tpu.memory_space<vmem>>, %arg11: memref<!tpu.dma_semaphore, #tpu.memory_space<semaphore_mem>>) attributes {dimension_semantics = [#tpu.dimension_semantics<core_parallel>, #tpu.dimension_semantics<subcore_parallel>], iteration_bounds = array<i64: 2, 16>, scalar_prefetch = 0 : i64, scratch_operands = 5 : i64, tpu.core_type = #tpu.core_type<sc_vector_subcore>, window_params = [{transform_indices = #map}, {transform_indices = #map1}, {transform_indices = #map}, {transform_indices = #map}, {transform_indices = #map}]} {
    %mul3A = arith.constant 2 : i32
    %mul3A_0 = arith.muli %arg1, %mul3A : i32
    %add3A = arith.addi %mul3A_0, %arg0 : i32
    %mul3A_1 = arith.constant 64 : i32
    %mul3A_2 = arith.muli %add3A, %mul3A_1 : i32
    %dma_start3A = arith.constant 0 : i32
    %dma_start3A_3 = tpu.memref_slice %arg2[%mul3A_2, %dma_start3A] : memref<2048x1024xf32, #tpu.memory_space<hbm>> -> memref<64x1024xf32, #tpu.memory_space<hbm>>
    %dma_start3A_4 = arith.constant 0 : i32
    %dma_start3A_5 = tpu.memref_slice %arg2[%mul3A_2, %dma_start3A_4] : memref<2048x1024xf32, #tpu.memory_space<hbm>> -> memref<64x1024xf32, #tpu.memory_space<hbm>>
    tpu.enqueue_dma source(%dma_start3A_5 : memref<64x1024xf32, #tpu.memory_space<hbm>>) target(%arg8 : memref<64x1024xf32, #tpu.memory_space<vmem>>) target_semaphore(%arg9 : memref<!tpu.dma_semaphore, #tpu.memory_space<semaphore_mem>>)
    %dma_start3A_6 = arith.constant 0 : i32
    %dma_start3A_7 = tpu.memref_slice %arg4[%mul3A_2, %dma_start3A_6] : memref<2048x128xf32, #tpu.memory_space<hbm>> -> memref<64x128xf32, #tpu.memory_space<hbm>>
    %dma_start3A_8 = arith.constant 0 : i32
    %dma_start3A_9 = tpu.memref_slice %arg4[%mul3A_2, %dma_start3A_8] : memref<2048x128xf32, #tpu.memory_space<hbm>> -> memref<64x128xf32, #tpu.memory_space<hbm>>
    tpu.enqueue_dma source(%dma_start3A_9 : memref<64x128xf32, #tpu.memory_space<hbm>>) target(%arg10 : memref<64x128xf32, #tpu.memory_space<vmem>>) target_semaphore(%arg11 : memref<!tpu.dma_semaphore, #tpu.memory_space<semaphore_mem>>)
    "tpu.region"() ({
      %run_scoped3A = tpu.sem_alloc : memref<!tpu.dma_semaphore, #tpu.memory_space<semaphore_mem>>
      %dma_start3A_29 = tpu.memref_slice %arg3[%mul3A_2] : memref<2048xi32, #tpu.memory_space<hbm>> -> memref<64xi32, #tpu.memory_space<hbm>>
      %dma_start3A_30 = tpu.memref_slice %arg3[%mul3A_2] : memref<2048xi32, #tpu.memory_space<hbm>> -> memref<64xi32, #tpu.memory_space<hbm>>
      tpu.enqueue_dma source(%dma_start3A_30 : memref<64xi32, #tpu.memory_space<hbm>>) target(%arg7 : memref<64xi32, #tpu.memory_space<vmem>>) target_semaphore(%run_scoped3A : memref<!tpu.dma_semaphore, #tpu.memory_space<semaphore_mem>>)
      %dma_wait3A_31 = tpu.memref_slice %arg3[%mul3A_2] : memref<2048xi32, #tpu.memory_space<hbm>> -> memref<64xi32, #tpu.memory_space<hbm>>
      %dma_wait3A_32 = tpu.memref_slice %arg3[%mul3A_2] : memref<2048xi32, #tpu.memory_space<hbm>> -> memref<64xi32, #tpu.memory_space<hbm>>
      tpu.wait_dma2 semaphore(%run_scoped3A : memref<!tpu.dma_semaphore, #tpu.memory_space<semaphore_mem>>) src(%dma_wait3A_32 : memref<64xi32, #tpu.memory_space<hbm>>) dst(%arg7 : memref<64xi32, #tpu.memory_space<vmem>>)
      tpu.yield
    }) : () -> ()
    %dma_wait3A = arith.constant 0 : i32
    %dma_wait3A_10 = tpu.memref_slice %arg2[%mul3A_2, %dma_wait3A] : memref<2048x1024xf32, #tpu.memory_space<hbm>> -> memref<64x1024xf32, #tpu.memory_space<hbm>>
    %dma_wait3A_11 = arith.constant 0 : i32
    %dma_wait3A_12 = tpu.memref_slice %arg2[%mul3A_2, %dma_wait3A_11] : memref<2048x1024xf32, #tpu.memory_space<hbm>> -> memref<64x1024xf32, #tpu.memory_space<hbm>>
    tpu.wait_dma2 semaphore(%arg9 : memref<!tpu.dma_semaphore, #tpu.memory_space<semaphore_mem>>) src(%dma_wait3A_12 : memref<64x1024xf32, #tpu.memory_space<hbm>>) dst(%arg8 : memref<64x1024xf32, #tpu.memory_space<vmem>>)
    %dma_wait3A_13 = arith.constant 0 : i32
    %dma_wait3A_14 = tpu.memref_slice %arg4[%mul3A_2, %dma_wait3A_13] : memref<2048x128xf32, #tpu.memory_space<hbm>> -> memref<64x128xf32, #tpu.memory_space<hbm>>
    %dma_wait3A_15 = arith.constant 0 : i32
    %dma_wait3A_16 = tpu.memref_slice %arg4[%mul3A_2, %dma_wait3A_15] : memref<2048x128xf32, #tpu.memory_space<hbm>> -> memref<64x128xf32, #tpu.memory_space<hbm>>
    tpu.wait_dma2 semaphore(%arg11 : memref<!tpu.dma_semaphore, #tpu.memory_space<semaphore_mem>>) src(%dma_wait3A_16 : memref<64x128xf32, #tpu.memory_space<hbm>>) dst(%arg10 : memref<64x128xf32, #tpu.memory_space<vmem>>)
    %dma_start3A_17 = arith.constant 0 : i32
    %dma_start3A_18 = arith.constant 0 : i32
    %dma_start3A_19 = tpu.memref_slice %arg5[%dma_start3A_17, %dma_start3A_18] : memref<3072x1024xf32, #tpu.memory_space<hbm>> -> memref<3072x1024xf32, #tpu.memory_space<hbm>>
    tpu.enqueue_indirect_dma source(%arg8 : memref<64x1024xf32, #tpu.memory_space<vmem>>) target(%dma_start3A_19 : memref<3072x1024xf32, #tpu.memory_space<hbm>>) offsets(%arg7 : memref<64xi32, #tpu.memory_space<vmem>>) semaphore(%arg9 : memref<!tpu.dma_semaphore, #tpu.memory_space<semaphore_mem>>)
    %dma_start3A_20 = arith.constant 0 : i32
    %dma_start3A_21 = arith.constant 0 : i32
    %dma_start3A_22 = tpu.memref_slice %arg6[%dma_start3A_20, %dma_start3A_21] : memref<3072x128xf32, #tpu.memory_space<hbm>> -> memref<3072x128xf32, #tpu.memory_space<hbm>>
    tpu.enqueue_indirect_dma source(%arg10 : memref<64x128xf32, #tpu.memory_space<vmem>>) target(%dma_start3A_22 : memref<3072x128xf32, #tpu.memory_space<hbm>>) offsets(%arg7 : memref<64xi32, #tpu.memory_space<vmem>>) semaphore(%arg11 : memref<!tpu.dma_semaphore, #tpu.memory_space<semaphore_mem>>)
    %dma_wait3A_23 = arith.constant 0 : i32
    %dma_wait3A_24 = arith.constant 0 : i32
    %dma_wait3A_25 = tpu.memref_slice %arg5[%dma_wait3A_23, %dma_wait3A_24] : memref<3072x1024xf32, #tpu.memory_space<hbm>> -> memref<3072x1024xf32, #tpu.memory_space<hbm>>
    tpu.wait_indirect_dma semaphore(%arg9 : memref<!tpu.dma_semaphore, #tpu.memory_space<semaphore_mem>>) src(%arg8 : memref<64x1024xf32, #tpu.memory_space<vmem>>) dst(%dma_wait3A_25 : memref<3072x1024xf32, #tpu.memory_space<hbm>>)
    %dma_wait3A_26 = arith.constant 0 : i32
    %dma_wait3A_27 = arith.constant 0 : i32
    %dma_wait3A_28 = tpu.memref_slice %arg6[%dma_wait3A_26, %dma_wait3A_27] : memref<3072x128xf32, #tpu.memory_space<hbm>> -> memref<3072x128xf32, #tpu.memory_space<hbm>>
    tpu.wait_indirect_dma semaphore(%arg11 : memref<!tpu.dma_semaphore, #tpu.memory_space<semaphore_mem>>) src(%arg10 : memref<64x128xf32, #tpu.memory_space<vmem>>) dst(%dma_wait3A_28 : memref<3072x128xf32, #tpu.memory_space<hbm>>)
    return
  }
}

#map = affine_map<(d0, d1) -> (0, 0)>
#map1 = affine_map<(d0, d1) -> (0)>
module attributes {stable_mosaic.version = 14 : i64} {
  func.func @sc_gather(%arg0: i32, %arg1: i32, %arg2: memref<3072x1024xf32, #tpu.memory_space<hbm>>, %arg3: memref<2048xi32, #tpu.memory_space<hbm>>, %arg4: memref<2048x1024xf32, #tpu.memory_space<hbm>>, %arg5: memref<64xi32, #tpu.memory_space<vmem>>, %arg6: memref<64x1024xf32, #tpu.memory_space<vmem>>, %arg7: memref<!tpu.dma_semaphore, #tpu.memory_space<semaphore_mem>>) attributes {dimension_semantics = [#tpu.dimension_semantics<core_parallel>, #tpu.dimension_semantics<subcore_parallel>], iteration_bounds = array<i64: 2, 16>, scalar_prefetch = 0 : i64, scratch_operands = 3 : i64, tpu.core_type = #tpu.core_type<sc_vector_subcore>, window_params = [{transform_indices = #map}, {transform_indices = #map1}, {transform_indices = #map}]} {
    %mul3A = arith.constant 2 : i32
    %mul3A_0 = arith.muli %arg1, %mul3A : i32
    %add3A = arith.addi %mul3A_0, %arg0 : i32
    %mul3A_1 = arith.constant 64 : i32
    %mul3A_2 = arith.muli %add3A, %mul3A_1 : i32
    "tpu.region"() ({
      %run_scoped3A = tpu.sem_alloc : memref<!tpu.dma_semaphore, #tpu.memory_space<semaphore_mem>>
      %dma_start3A_7 = tpu.memref_slice %arg3[%mul3A_2] : memref<2048xi32, #tpu.memory_space<hbm>> -> memref<64xi32, #tpu.memory_space<hbm>>
      %dma_start3A_8 = tpu.memref_slice %arg3[%mul3A_2] : memref<2048xi32, #tpu.memory_space<hbm>> -> memref<64xi32, #tpu.memory_space<hbm>>
      tpu.enqueue_dma source(%dma_start3A_8 : memref<64xi32, #tpu.memory_space<hbm>>) target(%arg5 : memref<64xi32, #tpu.memory_space<vmem>>) target_semaphore(%run_scoped3A : memref<!tpu.dma_semaphore, #tpu.memory_space<semaphore_mem>>)
      %dma_wait3A_9 = tpu.memref_slice %arg3[%mul3A_2] : memref<2048xi32, #tpu.memory_space<hbm>> -> memref<64xi32, #tpu.memory_space<hbm>>
      %dma_wait3A_10 = tpu.memref_slice %arg3[%mul3A_2] : memref<2048xi32, #tpu.memory_space<hbm>> -> memref<64xi32, #tpu.memory_space<hbm>>
      tpu.wait_dma2 semaphore(%run_scoped3A : memref<!tpu.dma_semaphore, #tpu.memory_space<semaphore_mem>>) src(%dma_wait3A_10 : memref<64xi32, #tpu.memory_space<hbm>>) dst(%arg5 : memref<64xi32, #tpu.memory_space<vmem>>)
      tpu.yield
    }) : () -> ()
    %dma_start3A = arith.constant 0 : i32
    %dma_start3A_3 = arith.constant 0 : i32
    %dma_start3A_4 = tpu.memref_slice %arg2[%dma_start3A, %dma_start3A_3] : memref<3072x1024xf32, #tpu.memory_space<hbm>> -> memref<3072x1024xf32, #tpu.memory_space<hbm>>
    tpu.enqueue_indirect_dma source(%dma_start3A_4 : memref<3072x1024xf32, #tpu.memory_space<hbm>>) target(%arg6 : memref<64x1024xf32, #tpu.memory_space<vmem>>) offsets(%arg5 : memref<64xi32, #tpu.memory_space<vmem>>) semaphore(%arg7 : memref<!tpu.dma_semaphore, #tpu.memory_space<semaphore_mem>>)
    %dma_wait3A = arith.constant 0 : i32
    %dma_wait3A_5 = arith.constant 0 : i32
    %dma_wait3A_6 = tpu.memref_slice %arg2[%dma_wait3A, %dma_wait3A_5] : memref<3072x1024xf32, #tpu.memory_space<hbm>> -> memref<3072x1024xf32, #tpu.memory_space<hbm>>
    tpu.wait_indirect_dma semaphore(%arg7 : memref<!tpu.dma_semaphore, #tpu.memory_space<semaphore_mem>>) src(%dma_wait3A_6 : memref<3072x1024xf32, #tpu.memory_space<hbm>>) dst(%arg6 : memref<64x1024xf32, #tpu.memory_space<vmem>>)
    "tpu.region"() ({
      %run_scoped3A = tpu.sem_alloc : memref<!tpu.dma_semaphore, #tpu.memory_space<semaphore_mem>>
      %dma_start3A_7 = arith.constant 0 : i32
      %dma_start3A_8 = tpu.memref_slice %arg4[%mul3A_2, %dma_start3A_7] : memref<2048x1024xf32, #tpu.memory_space<hbm>> -> memref<64x1024xf32, #tpu.memory_space<hbm>>
      %dma_start3A_9 = arith.constant 0 : i32
      %dma_start3A_10 = tpu.memref_slice %arg4[%mul3A_2, %dma_start3A_9] : memref<2048x1024xf32, #tpu.memory_space<hbm>> -> memref<64x1024xf32, #tpu.memory_space<hbm>>
      tpu.enqueue_dma source(%arg6 : memref<64x1024xf32, #tpu.memory_space<vmem>>) target(%dma_start3A_10 : memref<64x1024xf32, #tpu.memory_space<hbm>>) target_semaphore(%run_scoped3A : memref<!tpu.dma_semaphore, #tpu.memory_space<semaphore_mem>>)
      %dma_wait3A_11 = arith.constant 0 : i32
      %dma_wait3A_12 = tpu.memref_slice %arg4[%mul3A_2, %dma_wait3A_11] : memref<2048x1024xf32, #tpu.memory_space<hbm>> -> memref<64x1024xf32, #tpu.memory_space<hbm>>
      %dma_wait3A_13 = arith.constant 0 : i32
      %dma_wait3A_14 = tpu.memref_slice %arg4[%mul3A_2, %dma_wait3A_13] : memref<2048x1024xf32, #tpu.memory_space<hbm>> -> memref<64x1024xf32, #tpu.memory_space<hbm>>
      tpu.wait_dma2 semaphore(%run_scoped3A : memref<!tpu.dma_semaphore, #tpu.memory_space<semaphore_mem>>) src(%arg6 : memref<64x1024xf32, #tpu.memory_space<vmem>>) dst(%dma_wait3A_14 : memref<64x1024xf32, #tpu.memory_space<hbm>>)
      tpu.yield
    }) : () -> ()
    return
  }
}

module attributes {stable_mosaic.version = 14 : i64} {
  func.func @_router_body(%arg0: memref<2048x1024xf32, #tpu.memory_space<vmem>>, %arg1: memref<1024x128xf32, #tpu.memory_space<vmem>>, %arg2: memref<1x128xf32, #tpu.memory_space<vmem>>, %arg3: memref<2048x1xi32, #tpu.memory_space<vmem>>, %arg4: memref<2048x128xf32, #tpu.memory_space<vmem>>, %arg5: memref<32x1xi32, #tpu.memory_space<vmem>>, %arg6: memref<1x1xi32, #tpu.memory_space<vmem>>) attributes {dimension_semantics = [], scalar_prefetch = 0 : i64, scratch_operands = 0 : i64, tpu.core_type = #tpu.core_type<tc>} {
    %get3A = arith.constant 0 : index
    %get3A_0 = arith.constant 0 : index
    %get3A_1 = vector.load %arg0[%get3A, %get3A_0] : memref<2048x1024xf32, #tpu.memory_space<vmem>>, vector<2048x1024xf32>
    %get3A_2 = arith.constant 0 : index
    %get3A_3 = arith.constant 0 : index
    %get3A_4 = vector.load %arg1[%get3A_2, %get3A_3] : memref<1024x128xf32, #tpu.memory_space<vmem>>, vector<1024x128xf32>
    %dot_general3A = arith.constant dense<0.000000e+00> : vector<2048x128xf32>
    %dot_general3A_5 = tpu.matmul %get3A_1, %get3A_4, %dot_general3A {dimension_numbers = #tpu.dot_dimension_numbers<[1], [0], [0], [1], [0, 0, 1, 1], [], []>, transpose_lhs_hint = false} : vector<2048x1024xf32>, vector<1024x128xf32>, vector<2048x128xf32> -> vector<2048x128xf32>
    %get3A_6 = arith.constant 0 : index
    %get3A_7 = arith.constant 0 : index
    %get3A_8 = vector.load %arg2[%get3A_6, %get3A_7] : memref<1x128xf32, #tpu.memory_space<vmem>>, vector<1x128xf32>
    %add3A = vector.broadcast %get3A_8 : vector<1x128xf32> to vector<2048x128xf32>
    %add3A_9 = arith.addf %dot_general3A_5, %add3A : vector<2048x128xf32>
    %reduce_max3A = arith.constant dense<0xFF800000> : vector<2048xf32>
    %reduce_max3A_10 = vector.multi_reduction <maximumf>, %add3A_9, %reduce_max3A [1] : vector<2048x128xf32> to vector<2048xf32>
    %broadcast_in_dim3A = vector.shape_cast %reduce_max3A_10 : vector<2048xf32> to vector<2048x1xf32>
    %sub3A = vector.broadcast %broadcast_in_dim3A : vector<2048x1xf32> to vector<2048x128xf32>
    %sub3A_11 = arith.subf %add3A_9, %sub3A : vector<2048x128xf32>
    %exp3A = math.exp %sub3A_11 : vector<2048x128xf32>
    %reduce_sum3A = arith.constant dense<0.000000e+00> : vector<2048xf32>
    %reduce_sum3A_12 = vector.multi_reduction <add>, %exp3A, %reduce_sum3A [1] : vector<2048x128xf32> to vector<2048xf32>
    %broadcast_in_dim3A_13 = vector.shape_cast %reduce_sum3A_12 : vector<2048xf32> to vector<2048x1xf32>
    %reduce_max3A_14 = arith.constant dense<0xFF800000> : vector<2048xf32>
    %reduce_max3A_15 = vector.multi_reduction <maximumf>, %exp3A, %reduce_max3A_14 [1] : vector<2048x128xf32> to vector<2048xf32>
    %broadcast_in_dim3A_16 = vector.shape_cast %reduce_max3A_15 : vector<2048xf32> to vector<2048x1xf32>
    %div3A = arith.divf %broadcast_in_dim3A_16, %broadcast_in_dim3A_13 : vector<2048x1xf32>
    %broadcast_in_dim3A_17 = vector.shape_cast %div3A : vector<2048x1xf32> to vector<2048x1xf32>
    %broadcast_in_dim3A_18 = vector.broadcast %broadcast_in_dim3A_17 : vector<2048x1xf32> to vector<2048x128xf32>
    %swap3A = arith.constant 0 : index
    %swap3A_19 = arith.constant 0 : index
    %swap3A_20 = vector.load %arg4[%swap3A, %swap3A_19] : memref<2048x128xf32, #tpu.memory_space<vmem>>, vector<2048x128xf32>
    tpu.vector_store %arg4[%swap3A, %swap3A_19], %broadcast_in_dim3A_18 {strides = array<i32>} : memref<2048x128xf32, #tpu.memory_space<vmem>>, vector<2048x128xf32>,
    %iota3A = tpu.iota {dimensions = array<i32: 1>} : vector<2048x128xi32>
    %convert_element_type3A = arith.sitofp %iota3A : vector<2048x128xi32> to vector<2048x128xf32>
    %ge3A = vector.broadcast %broadcast_in_dim3A : vector<2048x1xf32> to vector<2048x128xf32>
    %ge3A_21 = arith.cmpf oge, %add3A_9, %ge3A : vector<2048x128xf32>
    %jit3A = arith.constant 1.280000e+02 : f32
    %broadcast_in_dim3A_22 = vector.broadcast %jit3A : f32 to vector<2048x128xf32>
    %select_n3A = arith.select %ge3A_21, %convert_element_type3A, %broadcast_in_dim3A_22 : vector<2048x128xi1>, vector<2048x128xf32>
    %reduce_min3A = arith.constant dense<0x7F800000> : vector<2048xf32>
    %reduce_min3A_23 = vector.multi_reduction <minimumf>, %select_n3A, %reduce_min3A [1] : vector<2048x128xf32> to vector<2048xf32>
    %broadcast_in_dim3A_24 = vector.shape_cast %reduce_min3A_23 : vector<2048xf32> to vector<2048x1xf32>
    %eq3A = vector.broadcast %broadcast_in_dim3A_24 : vector<2048x1xf32> to vector<2048x128xf32>
    %eq3A_25 = arith.cmpf oeq, %convert_element_type3A, %eq3A : vector<2048x128xf32>
    %convert_element_type3A_26 = arith.extui %eq3A_25 : vector<2048x128xi1> to vector<2048x128xi32>
    %convert_element_type3A_27 = arith.sitofp %convert_element_type3A_26 : vector<2048x128xi32> to vector<2048x128xf32>
    %iota3A_28 = tpu.iota {dimensions = array<i32: 0>} : vector<256x256xi32>
    %iota3A_29 = tpu.iota {dimensions = array<i32: 1>} : vector<256x256xi32>
    %lt3A = arith.cmpi slt, %iota3A_29, %iota3A_28 : vector<256x256xi32>
    %convert_element_type3A_30 = arith.extui %lt3A : vector<256x256xi1> to vector<256x256xi32>
    %convert_element_type3A_31 = arith.sitofp %convert_element_type3A_30 : vector<256x256xi32> to vector<256x256xf32>
    %broadcast_in_dim3A_32 = arith.constant 0.000000e+00 : f32
    %broadcast_in_dim3A_33 = vector.broadcast %broadcast_in_dim3A_32 : f32 to vector<1x128xf32>
    %slice3A = vector.extract_strided_slice %convert_element_type3A_27 {offsets = [0, 0], sizes = [256, 128], strides = [1, 1]} : vector<2048x128xf32> to vector<256x128xf32>
    %dot_general3A_34 = arith.constant dense<0.000000e+00> : vector<256x128xf32>
    %dot_general3A_35 = tpu.matmul %convert_element_type3A_31, %slice3A, %dot_general3A_34 {dimension_numbers = #tpu.dot_dimension_numbers<[1], [0], [0], [1], [0, 0, 1, 1], [], []>, transpose_lhs_hint = false} : vector<256x256xf32>, vector<256x128xf32>, vector<256x128xf32> -> vector<256x128xf32>
    %add3A_36 = vector.broadcast %broadcast_in_dim3A_33 : vector<1x128xf32> to vector<256x128xf32>
    %add3A_37 = arith.addf %dot_general3A_35, %add3A_36 : vector<256x128xf32>
    %reduce_sum3A_38 = arith.constant dense<0.000000e+00> : vector<128xf32>
    %reduce_sum3A_39 = vector.multi_reduction <add>, %slice3A, %reduce_sum3A_38 [0] : vector<256x128xf32> to vector<128xf32>
    %broadcast_in_dim3A_40 = vector.shape_cast %reduce_sum3A_39 : vector<128xf32> to vector<1x128xf32>
    %add3A_41 = arith.addf %broadcast_in_dim3A_33, %broadcast_in_dim3A_40 : vector<1x128xf32>
    %slice3A_42 = vector.extract_strided_slice %convert_element_type3A_27 {offsets = [256, 0], sizes = [256, 128], strides = [1, 1]} : vector<2048x128xf32> to vector<256x128xf32>
    %dot_general3A_43 = arith.constant dense<0.000000e+00> : vector<256x128xf32>
    %dot_general3A_44 = tpu.matmul %convert_element_type3A_31, %slice3A_42, %dot_general3A_43 {dimension_numbers = #tpu.dot_dimension_numbers<[1], [0], [0], [1], [0, 0, 1, 1], [], []>, transpose_lhs_hint = false} : vector<256x256xf32>, vector<256x128xf32>, vector<256x128xf32> -> vector<256x128xf32>
    %add3A_45 = vector.broadcast %add3A_41 : vector<1x128xf32> to vector<256x128xf32>
    %add3A_46 = arith.addf %dot_general3A_44, %add3A_45 : vector<256x128xf32>
    %reduce_sum3A_47 = arith.constant dense<0.000000e+00> : vector<128xf32>
    %reduce_sum3A_48 = vector.multi_reduction <add>, %slice3A_42, %reduce_sum3A_47 [0] : vector<256x128xf32> to vector<128xf32>
    %broadcast_in_dim3A_49 = vector.shape_cast %reduce_sum3A_48 : vector<128xf32> to vector<1x128xf32>
    %add3A_50 = arith.addf %add3A_41, %broadcast_in_dim3A_49 : vector<1x128xf32>
    %slice3A_51 = vector.extract_strided_slice %convert_element_type3A_27 {offsets = [512, 0], sizes = [256, 128], strides = [1, 1]} : vector<2048x128xf32> to vector<256x128xf32>
    %dot_general3A_52 = arith.constant dense<0.000000e+00> : vector<256x128xf32>
    %dot_general3A_53 = tpu.matmul %convert_element_type3A_31, %slice3A_51, %dot_general3A_52 {dimension_numbers = #tpu.dot_dimension_numbers<[1], [0], [0], [1], [0, 0, 1, 1], [], []>, transpose_lhs_hint = false} : vector<256x256xf32>, vector<256x128xf32>, vector<256x128xf32> -> vector<256x128xf32>
    %add3A_54 = vector.broadcast %add3A_50 : vector<1x128xf32> to vector<256x128xf32>
    %add3A_55 = arith.addf %dot_general3A_53, %add3A_54 : vector<256x128xf32>
    %reduce_sum3A_56 = arith.constant dense<0.000000e+00> : vector<128xf32>
    %reduce_sum3A_57 = vector.multi_reduction <add>, %slice3A_51, %reduce_sum3A_56 [0] : vector<256x128xf32> to vector<128xf32>
    %broadcast_in_dim3A_58 = vector.shape_cast %reduce_sum3A_57 : vector<128xf32> to vector<1x128xf32>
    %add3A_59 = arith.addf %add3A_50, %broadcast_in_dim3A_58 : vector<1x128xf32>
    %slice3A_60 = vector.extract_strided_slice %convert_element_type3A_27 {offsets = [768, 0], sizes = [256, 128], strides = [1, 1]} : vector<2048x128xf32> to vector<256x128xf32>
    %dot_general3A_61 = arith.constant dense<0.000000e+00> : vector<256x128xf32>
    %dot_general3A_62 = tpu.matmul %convert_element_type3A_31, %slice3A_60, %dot_general3A_61 {dimension_numbers = #tpu.dot_dimension_numbers<[1], [0], [0], [1], [0, 0, 1, 1], [], []>, transpose_lhs_hint = false} : vector<256x256xf32>, vector<256x128xf32>, vector<256x128xf32> -> vector<256x128xf32>
    %add3A_63 = vector.broadcast %add3A_59 : vector<1x128xf32> to vector<256x128xf32>
    %add3A_64 = arith.addf %dot_general3A_62, %add3A_63 : vector<256x128xf32>
    %reduce_sum3A_65 = arith.constant dense<0.000000e+00> : vector<128xf32>
    %reduce_sum3A_66 = vector.multi_reduction <add>, %slice3A_60, %reduce_sum3A_65 [0] : vector<256x128xf32> to vector<128xf32>
    %broadcast_in_dim3A_67 = vector.shape_cast %reduce_sum3A_66 : vector<128xf32> to vector<1x128xf32>
    %add3A_68 = arith.addf %add3A_59, %broadcast_in_dim3A_67 : vector<1x128xf32>
    %slice3A_69 = vector.extract_strided_slice %convert_element_type3A_27 {offsets = [1024, 0], sizes = [256, 128], strides = [1, 1]} : vector<2048x128xf32> to vector<256x128xf32>
    %dot_general3A_70 = arith.constant dense<0.000000e+00> : vector<256x128xf32>
    %dot_general3A_71 = tpu.matmul %convert_element_type3A_31, %slice3A_69, %dot_general3A_70 {dimension_numbers = #tpu.dot_dimension_numbers<[1], [0], [0], [1], [0, 0, 1, 1], [], []>, transpose_lhs_hint = false} : vector<256x256xf32>, vector<256x128xf32>, vector<256x128xf32> -> vector<256x128xf32>
    %add3A_72 = vector.broadcast %add3A_68 : vector<1x128xf32> to vector<256x128xf32>
    %add3A_73 = arith.addf %dot_general3A_71, %add3A_72 : vector<256x128xf32>
    %reduce_sum3A_74 = arith.constant dense<0.000000e+00> : vector<128xf32>
    %reduce_sum3A_75 = vector.multi_reduction <add>, %slice3A_69, %reduce_sum3A_74 [0] : vector<256x128xf32> to vector<128xf32>
    %broadcast_in_dim3A_76 = vector.shape_cast %reduce_sum3A_75 : vector<128xf32> to vector<1x128xf32>
    %add3A_77 = arith.addf %add3A_68, %broadcast_in_dim3A_76 : vector<1x128xf32>
    %slice3A_78 = vector.extract_strided_slice %convert_element_type3A_27 {offsets = [1280, 0], sizes = [256, 128], strides = [1, 1]} : vector<2048x128xf32> to vector<256x128xf32>
    %dot_general3A_79 = arith.constant dense<0.000000e+00> : vector<256x128xf32>
    %dot_general3A_80 = tpu.matmul %convert_element_type3A_31, %slice3A_78, %dot_general3A_79 {dimension_numbers = #tpu.dot_dimension_numbers<[1], [0], [0], [1], [0, 0, 1, 1], [], []>, transpose_lhs_hint = false} : vector<256x256xf32>, vector<256x128xf32>, vector<256x128xf32> -> vector<256x128xf32>
    %add3A_81 = vector.broadcast %add3A_77 : vector<1x128xf32> to vector<256x128xf32>
    %add3A_82 = arith.addf %dot_general3A_80, %add3A_81 : vector<256x128xf32>
    %reduce_sum3A_83 = arith.constant dense<0.000000e+00> : vector<128xf32>
    %reduce_sum3A_84 = vector.multi_reduction <add>, %slice3A_78, %reduce_sum3A_83 [0] : vector<256x128xf32> to vector<128xf32>
    %broadcast_in_dim3A_85 = vector.shape_cast %reduce_sum3A_84 : vector<128xf32> to vector<1x128xf32>
    %add3A_86 = arith.addf %add3A_77, %broadcast_in_dim3A_85 : vector<1x128xf32>
    %slice3A_87 = vector.extract_strided_slice %convert_element_type3A_27 {offsets = [1536, 0], sizes = [256, 128], strides = [1, 1]} : vector<2048x128xf32> to vector<256x128xf32>
    %dot_general3A_88 = arith.constant dense<0.000000e+00> : vector<256x128xf32>
    %dot_general3A_89 = tpu.matmul %convert_element_type3A_31, %slice3A_87, %dot_general3A_88 {dimension_numbers = #tpu.dot_dimension_numbers<[1], [0], [0], [1], [0, 0, 1, 1], [], []>, transpose_lhs_hint = false} : vector<256x256xf32>, vector<256x128xf32>, vector<256x128xf32> -> vector<256x128xf32>
    %add3A_90 = vector.broadcast %add3A_86 : vector<1x128xf32> to vector<256x128xf32>
    %add3A_91 = arith.addf %dot_general3A_89, %add3A_90 : vector<256x128xf32>
    %reduce_sum3A_92 = arith.constant dense<0.000000e+00> : vector<128xf32>
    %reduce_sum3A_93 = vector.multi_reduction <add>, %slice3A_87, %reduce_sum3A_92 [0] : vector<256x128xf32> to vector<128xf32>
    %broadcast_in_dim3A_94 = vector.shape_cast %reduce_sum3A_93 : vector<128xf32> to vector<1x128xf32>
    %add3A_95 = arith.addf %add3A_86, %broadcast_in_dim3A_94 : vector<1x128xf32>
    %slice3A_96 = vector.extract_strided_slice %convert_element_type3A_27 {offsets = [1792, 0], sizes = [256, 128], strides = [1, 1]} : vector<2048x128xf32> to vector<256x128xf32>
    %dot_general3A_97 = arith.constant dense<0.000000e+00> : vector<256x128xf32>
    %dot_general3A_98 = tpu.matmul %convert_element_type3A_31, %slice3A_96, %dot_general3A_97 {dimension_numbers = #tpu.dot_dimension_numbers<[1], [0], [0], [1], [0, 0, 1, 1], [], []>, transpose_lhs_hint = false} : vector<256x256xf32>, vector<256x128xf32>, vector<256x128xf32> -> vector<256x128xf32>
    %add3A_99 = vector.broadcast %add3A_95 : vector<1x128xf32> to vector<256x128xf32>
    %add3A_100 = arith.addf %dot_general3A_98, %add3A_99 : vector<256x128xf32>
    %reduce_sum3A_101 = arith.constant dense<0.000000e+00> : vector<128xf32>
    %reduce_sum3A_102 = vector.multi_reduction <add>, %slice3A_96, %reduce_sum3A_101 [0] : vector<256x128xf32> to vector<128xf32>
    %broadcast_in_dim3A_103 = vector.shape_cast %reduce_sum3A_102 : vector<128xf32> to vector<1x128xf32>
    %add3A_104 = arith.addf %add3A_95, %broadcast_in_dim3A_103 : vector<1x128xf32>
    %concatenate3A = tpu.concatenate %add3A_37, %add3A_46, %add3A_55, %add3A_64, %add3A_73, %add3A_82, %add3A_91, %add3A_100 in 0 : vector<256x128xf32>, vector<256x128xf32>, vector<256x128xf32>, vector<256x128xf32>, vector<256x128xf32>, vector<256x128xf32>, vector<256x128xf32>, vector<256x128xf32> -> vector<2048x128xf32>
    %add3A_105 = arith.constant 1.270000e+02 : f32
    %add3A_106 = vector.broadcast %add3A_105 : f32 to vector<1x128xf32>
    %add3A_107 = arith.addf %add3A_104, %add3A_106 : vector<1x128xf32>
    %div3A_108 = arith.constant 1.280000e+02 : f32
    %div3A_109 = vector.broadcast %div3A_108 : f32 to vector<1x128xf32>
    %div3A_110 = arith.divf %add3A_107, %div3A_109 : vector<1x128xf32>
    %floor3A = math.floor %div3A_110 : vector<1x128xf32>
    %mul3A = arith.constant 1.280000e+02 : f32
    %mul3A_111 = vector.broadcast %mul3A : f32 to vector<1x128xf32>
    %mul3A_112 = arith.mulf %floor3A, %mul3A_111 : vector<1x128xf32>
    %iota3A_113 = tpu.iota {dimensions = array<i32: 0>} : vector<128x128xi32>
    %iota3A_114 = tpu.iota {dimensions = array<i32: 1>} : vector<128x128xi32>
    %lt3A_115 = arith.cmpi slt, %iota3A_113, %iota3A_114 : vector<128x128xi32>
    %convert_element_type3A_116 = arith.extui %lt3A_115 : vector<128x128xi1> to vector<128x128xi32>
    %convert_element_type3A_117 = arith.sitofp %convert_element_type3A_116 : vector<128x128xi32> to vector<128x128xf32>
    %dot_general3A_118 = arith.constant dense<0.000000e+00> : vector<1x128xf32>
    %dot_general3A_119 = tpu.matmul %mul3A_112, %convert_element_type3A_117, %dot_general3A_118 {dimension_numbers = #tpu.dot_dimension_numbers<[1], [0], [0], [1], [0, 0, 1, 1], [], []>, transpose_lhs_hint = false} : vector<1x128xf32>, vector<128x128xf32>, vector<1x128xf32> -> vector<1x128xf32>
    %add3A_120 = vector.broadcast %dot_general3A_119 : vector<1x128xf32> to vector<2048x128xf32>
    %add3A_121 = arith.addf %concatenate3A, %add3A_120 : vector<2048x128xf32>
    %mul3A_122 = arith.mulf %convert_element_type3A_27, %add3A_121 : vector<2048x128xf32>
    %reduce_sum3A_123 = arith.constant dense<0.000000e+00> : vector<2048xf32>
    %reduce_sum3A_124 = vector.multi_reduction <add>, %mul3A_122, %reduce_sum3A_123 [1] : vector<2048x128xf32> to vector<2048xf32>
    %broadcast_in_dim3A_125 = vector.shape_cast %reduce_sum3A_124 : vector<2048xf32> to vector<2048x1xf32>
    %convert_element_type3A_126 = arith.fptosi %broadcast_in_dim3A_125 : vector<2048x1xf32> to vector<2048x1xi32>
    %swap3A_127 = arith.constant 0 : index
    %swap3A_128 = arith.constant 0 : index
    %swap3A_129 = vector.load %arg3[%swap3A_127, %swap3A_128] : memref<2048x1xi32, #tpu.memory_space<vmem>>, vector<2048x1xi32>
    tpu.vector_store %arg3[%swap3A_127, %swap3A_128], %convert_element_type3A_126 {strides = array<i32>} : memref<2048x1xi32, #tpu.memory_space<vmem>>, vector<2048x1xi32>,
    %iota3A_130 = tpu.iota {dimensions = array<i32: 0>} : vector<32x128xi32>
    %convert_element_type3A_131 = arith.sitofp %iota3A_130 : vector<32x128xi32> to vector<32x128xf32>
    %mul3A_132 = arith.constant 1.280000e+02 : f32
    %mul3A_133 = vector.broadcast %mul3A_132 : f32 to vector<32x128xf32>
    %mul3A_134 = arith.mulf %convert_element_type3A_131, %mul3A_133 : vector<32x128xf32>
    %iota3A_135 = tpu.iota {dimensions = array<i32: 1>} : vector<32x128xi32>
    %convert_element_type3A_136 = arith.sitofp %iota3A_135 : vector<32x128xi32> to vector<32x128xf32>
    %le3A = vector.broadcast %dot_general3A_119 : vector<1x128xf32> to vector<32x128xf32>
    %le3A_137 = arith.cmpf ole, %le3A, %mul3A_134 : vector<32x128xf32>
    %lt3A_138 = arith.constant 8.000000e+00 : f32
    %lt3A_139 = vector.broadcast %lt3A_138 : f32 to vector<32x128xf32>
    %lt3A_140 = arith.cmpf olt, %convert_element_type3A_136, %lt3A_139 : vector<32x128xf32>
    %and3A = arith.andi %le3A_137, %lt3A_140 : vector<32x128xi1>
    %convert_element_type3A_141 = arith.extui %and3A : vector<32x128xi1> to vector<32x128xi32>
    %convert_element_type3A_142 = arith.sitofp %convert_element_type3A_141 : vector<32x128xi32> to vector<32x128xf32>
    %reduce_sum3A_143 = arith.constant dense<0.000000e+00> : vector<32xf32>
    %reduce_sum3A_144 = vector.multi_reduction <add>, %convert_element_type3A_142, %reduce_sum3A_143 [1] : vector<32x128xf32> to vector<32xf32>
    %broadcast_in_dim3A_145 = vector.shape_cast %reduce_sum3A_144 : vector<32xf32> to vector<32x1xf32>
    %sub3A_146 = arith.constant 1.000000e+00 : f32
    %sub3A_147 = vector.broadcast %sub3A_146 : f32 to vector<32x1xf32>
    %sub3A_148 = arith.subf %broadcast_in_dim3A_145, %sub3A_147 : vector<32x1xf32>
    %convert_element_type3A_149 = arith.fptosi %sub3A_148 : vector<32x1xf32> to vector<32x1xi32>
    %swap3A_150 = arith.constant 0 : index
    %swap3A_151 = arith.constant 0 : index
    %swap3A_152 = vector.load %arg5[%swap3A_150, %swap3A_151] : memref<32x1xi32, #tpu.memory_space<vmem>>, vector<32x1xi32>
    tpu.vector_store %arg5[%swap3A_150, %swap3A_151], %convert_element_type3A_149 {strides = array<i32>} : memref<32x1xi32, #tpu.memory_space<vmem>>, vector<32x1xi32>,
    %reduce_sum3A_153 = vector.shape_cast %mul3A_112 : vector<1x128xf32> to vector<1x1x128xf32>
    %reduce_sum3A_154 = arith.constant dense<0.000000e+00> : vector<1xf32>
    %reduce_sum3A_155 = vector.multi_reduction <add>, %reduce_sum3A_153, %reduce_sum3A_154 [1, 2] : vector<1x1x128xf32> to vector<1xf32>
    %reduce_sum3A_156 = vector.shape_cast %reduce_sum3A_155 : vector<1xf32> to vector<1x1x1xf32>
    %reduce_sum3A_157 = vector.extract %reduce_sum3A_156[0, 0, 0] : f32 from vector<1x1x1xf32>
    %broadcast_in_dim3A_158 = vector.broadcast %reduce_sum3A_157 : f32 to vector<1x1xf32>
    %div3A_159 = arith.constant 1.280000e+02 : f32
    %div3A_160 = vector.broadcast %div3A_159 : f32 to vector<1x1xf32>
    %div3A_161 = arith.divf %broadcast_in_dim3A_158, %div3A_160 : vector<1x1xf32>
    %convert_element_type3A_162 = arith.fptosi %div3A_161 : vector<1x1xf32> to vector<1x1xi32>
    %swap3A_163 = arith.constant 0 : index
    %swap3A_164 = arith.constant 0 : index
    %swap3A_165 = vector.load %arg6[%swap3A_163, %swap3A_164] : memref<1x1xi32, #tpu.memory_space<vmem>>, vector<1x1xi32>
    tpu.vector_store %arg6[%swap3A_163, %swap3A_164], %convert_element_type3A_162 {strides = array<i32>} : memref<1x1xi32, #tpu.memory_space<vmem>>, vector<1x1xi32>,
    return
  }
}

module attributes {stable_mosaic.version = 14 : i64} {
  func.func @_ffn_body(%arg0: i32, %arg1: i32, %arg2: memref<32xi32, #tpu.memory_space<smem>>, %arg3: memref<3072x1024xf32, #tpu.memory_space<vmem>>, %arg4: memref<128x128xf32, #tpu.memory_space<vmem>>, %arg5: memref<1x1024x2048xf32, #tpu.memory_space<vmem>>, %arg6: memref<1x1x2048xf32, #tpu.memory_space<vmem>>, %arg7: memref<1x2048x1024xf32, #tpu.memory_space<vmem>>, %arg8: memref<1x1x1024xf32, #tpu.memory_space<vmem>>, %arg9: memref<3072x1024xf32, #tpu.memory_space<vmem>>) attributes {dimension_semantics = [#tpu.dimension_semantics<arbitrary>, #tpu.dimension_semantics<arbitrary>], iteration_bounds = array<i64: 2, -9223372036854775808>, scalar_prefetch = 1 : i64, scratch_operands = 0 : i64, tpu.core_type = #tpu.core_type<tc>, window_params = [{pipeline_mode = #tpu.pipeline_mode<synchronous>, transform_indices = @transform_0, window_bounds = array<i64: 3072, 1024>}, {transform_indices = @transform_1, window_bounds = array<i64: 128, 128>}, {transform_indices = @transform_2, window_bounds = array<i64: 1, 1024, 2048>}, {transform_indices = @transform_3, window_bounds = array<i64: 1, 1, 2048>}, {transform_indices = @transform_4, window_bounds = array<i64: 1, 2048, 1024>}, {transform_indices = @transform_5, window_bounds = array<i64: 1, 1, 1024>}, {pipeline_mode = #tpu.pipeline_mode<synchronous>, transform_indices = @transform_6, window_bounds = array<i64: 3072, 1024>}]} {
    %mul3A = arith.constant 128 : i32
    %mul3A_0 = arith.muli %arg1, %mul3A : i32
    %get3A = arith.index_cast %mul3A_0 : i32 to index
    %get3A_1 = arith.constant 0 : index
    %get3A_2 = vector.load %arg3[%get3A, %get3A_1] : memref<3072x1024xf32, #tpu.memory_space<vmem>>, vector<128x1024xf32>
    %get3A_3 = arith.constant 0 : index
    %get3A_4 = arith.constant 0 : index
    %get3A_5 = arith.constant 0 : index
    %get3A_6 = vector.load %arg5[%get3A_3, %get3A_4, %get3A_5] : memref<1x1024x2048xf32, #tpu.memory_space<vmem>>, vector<1x1024x2048xf32>
    %get3A_7 = vector.shape_cast %get3A_6 : vector<1x1024x2048xf32> to vector<1024x2048xf32>
    %dot_general3A = arith.constant dense<0.000000e+00> : vector<128x2048xf32>
    %dot_general3A_8 = tpu.matmul %get3A_2, %get3A_7, %dot_general3A {dimension_numbers = #tpu.dot_dimension_numbers<[1], [0], [0], [1], [0, 0, 1, 1], [], []>, transpose_lhs_hint = false} : vector<128x1024xf32>, vector<1024x2048xf32>, vector<128x2048xf32> -> vector<128x2048xf32>
    %get3A_9 = arith.constant 0 : index
    %get3A_10 = arith.constant 0 : index
    %get3A_11 = arith.constant 0 : index
    %get3A_12 = vector.load %arg6[%get3A_9, %get3A_10, %get3A_11] : memref<1x1x2048xf32, #tpu.memory_space<vmem>>, vector<1x1x2048xf32>
    %get3A_13 = vector.shape_cast %get3A_12 : vector<1x1x2048xf32> to vector<1x2048xf32>
    %add3A = vector.broadcast %get3A_13 : vector<1x2048xf32> to vector<128x2048xf32>
    %add3A_14 = arith.addf %dot_general3A_8, %add3A : vector<128x2048xf32>
    %mul3A_15 = arith.constant 5.000000e-01 : f32
    %mul3A_16 = vector.broadcast %mul3A_15 : f32 to vector<128x2048xf32>
    %mul3A_17 = arith.mulf %mul3A_16, %add3A_14 : vector<128x2048xf32>
    %mul3A_18 = arith.constant 0.707106769 : f32
    %mul3A_19 = vector.broadcast %mul3A_18 : f32 to vector<128x2048xf32>
    %mul3A_20 = arith.mulf %add3A_14, %mul3A_19 : vector<128x2048xf32>
    %erf3A = math.erf %mul3A_20 : vector<128x2048xf32>
    %add3A_21 = arith.constant 1.000000e+00 : f32
    %add3A_22 = vector.broadcast %add3A_21 : f32 to vector<128x2048xf32>
    %add3A_23 = arith.addf %add3A_22, %erf3A : vector<128x2048xf32>
    %mul3A_24 = arith.mulf %mul3A_17, %add3A_23 : vector<128x2048xf32>
    %get3A_25 = arith.constant 0 : index
    %get3A_26 = arith.constant 0 : index
    %get3A_27 = arith.constant 0 : index
    %get3A_28 = vector.load %arg7[%get3A_25, %get3A_26, %get3A_27] : memref<1x2048x1024xf32, #tpu.memory_space<vmem>>, vector<1x2048x1024xf32>
    %get3A_29 = vector.shape_cast %get3A_28 : vector<1x2048x1024xf32> to vector<2048x1024xf32>
    %dot_general3A_30 = arith.constant dense<0.000000e+00> : vector<128x1024xf32>
    %dot_general3A_31 = tpu.matmul %mul3A_24, %get3A_29, %dot_general3A_30 {dimension_numbers = #tpu.dot_dimension_numbers<[1], [0], [0], [1], [0, 0, 1, 1], [], []>, transpose_lhs_hint = false} : vector<128x2048xf32>, vector<2048x1024xf32>, vector<128x1024xf32> -> vector<128x1024xf32>
    %get3A_32 = arith.constant 0 : index
    %get3A_33 = arith.constant 0 : index
    %get3A_34 = vector.load %arg4[%get3A_32, %get3A_33] : memref<128x128xf32, #tpu.memory_space<vmem>>, vector<128x1xf32>
    %eq3A = arith.constant 0 : i32
    %eq3A_35 = arith.cmpi eq, %arg0, %eq3A : i32
    %convert_element_type3A = arith.extui %eq3A_35 : i1 to i32
    %cond3A = arith.constant 0 : i32
    %cond3A_36 = arith.cmpi ne, %convert_element_type3A, %cond3A : i32
    scf.if %cond3A_36 {
      %get3A_47 = arith.constant 0 : index
      %get3A_48 = arith.constant 0 : index
      %get3A_49 = arith.constant 0 : index
      %get3A_50 = vector.load %arg8[%get3A_47, %get3A_48, %get3A_49] : memref<1x1x1024xf32, #tpu.memory_space<vmem>>, vector<1x1x1024xf32>
      %get3A_51 = vector.shape_cast %get3A_50 : vector<1x1x1024xf32> to vector<1x1024xf32>
      %add3A_52 = vector.broadcast %get3A_51 : vector<1x1024xf32> to vector<128x1024xf32>
      %add3A_53 = arith.addf %dot_general3A_31, %add3A_52 : vector<128x1024xf32>
      %swap3A = arith.index_cast %mul3A_0 : i32 to index
      %swap3A_54 = arith.constant 0 : index
      %swap3A_55 = vector.load %arg9[%swap3A, %swap3A_54] : memref<3072x1024xf32, #tpu.memory_space<vmem>>, vector<128x1024xf32>
      tpu.vector_store %arg9[%swap3A, %swap3A_54], %add3A_53 {strides = array<i32>} : memref<3072x1024xf32, #tpu.memory_space<vmem>>, vector<128x1024xf32>,
    } else {
    }
    %gt3A = arith.constant 0 : i32
    %gt3A_37 = arith.cmpi sgt, %arg0, %gt3A : i32
    %lt3A = arith.constant 1 : i32
    %lt3A_38 = arith.cmpi slt, %arg0, %lt3A : i32
    %and3A = arith.andi %gt3A_37, %lt3A_38 : i1
    %convert_element_type3A_39 = arith.extui %and3A : i1 to i32
    %cond3A_40 = arith.constant 0 : i32
    %cond3A_41 = arith.cmpi ne, %convert_element_type3A_39, %cond3A_40 : i32
    scf.if %cond3A_41 {
      %get3A_47 = arith.index_cast %mul3A_0 : i32 to index
      %get3A_48 = arith.constant 0 : index
      %get3A_49 = vector.load %arg9[%get3A_47, %get3A_48] : memref<3072x1024xf32, #tpu.memory_space<vmem>>, vector<128x1024xf32>
      %add3A_50 = arith.addf %get3A_49, %dot_general3A_31 : vector<128x1024xf32>
      %swap3A = arith.index_cast %mul3A_0 : i32 to index
      %swap3A_51 = arith.constant 0 : index
      %swap3A_52 = vector.load %arg9[%swap3A, %swap3A_51] : memref<3072x1024xf32, #tpu.memory_space<vmem>>, vector<128x1024xf32>
      tpu.vector_store %arg9[%swap3A, %swap3A_51], %add3A_50 {strides = array<i32>} : memref<3072x1024xf32, #tpu.memory_space<vmem>>, vector<128x1024xf32>,
    } else {
    }
    %eq3A_42 = arith.constant 1 : i32
    %eq3A_43 = arith.cmpi eq, %arg0, %eq3A_42 : i32
    %convert_element_type3A_44 = arith.extui %eq3A_43 : i1 to i32
    %cond3A_45 = arith.constant 0 : i32
    %cond3A_46 = arith.cmpi ne, %convert_element_type3A_44, %cond3A_45 : i32
    scf.if %cond3A_46 {
      %get3A_47 = arith.index_cast %mul3A_0 : i32 to index
      %get3A_48 = arith.constant 0 : index
      %get3A_49 = vector.load %arg9[%get3A_47, %get3A_48] : memref<3072x1024xf32, #tpu.memory_space<vmem>>, vector<128x1024xf32>
      %add3A_50 = arith.addf %get3A_49, %dot_general3A_31 : vector<128x1024xf32>
      %mul3A_51 = vector.broadcast %get3A_34 : vector<128x1xf32> to vector<128x1024xf32>
      %mul3A_52 = arith.mulf %add3A_50, %mul3A_51 : vector<128x1024xf32>
      %swap3A = arith.index_cast %mul3A_0 : i32 to index
      %swap3A_53 = arith.constant 0 : index
      %swap3A_54 = vector.load %arg9[%swap3A, %swap3A_53] : memref<3072x1024xf32, #tpu.memory_space<vmem>>, vector<128x1024xf32>
      tpu.vector_store %arg9[%swap3A, %swap3A_53], %mul3A_52 {strides = array<i32>} : memref<3072x1024xf32, #tpu.memory_space<vmem>>, vector<128x1024xf32>,
    } else {
    }
    return
  }
  func.func @transform_0(%arg0: i32, %arg1: i32, %arg2: memref<32xi32, #tpu.memory_space<smem>>) -> (i32, i32) {
    %c0_i32 = arith.constant 0 : i32
    %c0_i32_0 = arith.constant 0 : i32
    %c0_i32_1 = arith.constant 0 : i32
    return %c0_i32, %c0_i32_0 : i32, i32
  }
  func.func @transform_1(%arg0: i32, %arg1: i32, %arg2: memref<32xi32, #tpu.memory_space<smem>>) -> (i32, i32) {
    %c0_i32 = arith.constant 0 : i32
    %c0_i32_0 = arith.constant 0 : i32
    return %arg1, %c0_i32 : i32, i32
  }
  func.func @transform_2(%arg0: i32, %arg1: i32, %arg2: memref<32xi32, #tpu.memory_space<smem>>) -> (i32, i32, i32) {
    %get3A = arith.index_cast %arg1 : i32 to index
    %get3A_0 = memref.load %arg2[%get3A] : memref<32xi32, #tpu.memory_space<smem>>
    %c0_i32 = arith.constant 0 : i32
    %c0_i32_1 = arith.constant 0 : i32
    return %get3A_0, %c0_i32, %arg0 : i32, i32, i32
  }
  func.func @transform_3(%arg0: i32, %arg1: i32, %arg2: memref<32xi32, #tpu.memory_space<smem>>) -> (i32, i32, i32) {
    %get3A = arith.index_cast %arg1 : i32 to index
    %get3A_0 = memref.load %arg2[%get3A] : memref<32xi32, #tpu.memory_space<smem>>
    %c0_i32 = arith.constant 0 : i32
    %c0_i32_1 = arith.constant 0 : i32
    return %get3A_0, %c0_i32, %arg0 : i32, i32, i32
  }
  func.func @transform_4(%arg0: i32, %arg1: i32, %arg2: memref<32xi32, #tpu.memory_space<smem>>) -> (i32, i32, i32) {
    %get3A = arith.index_cast %arg1 : i32 to index
    %get3A_0 = memref.load %arg2[%get3A] : memref<32xi32, #tpu.memory_space<smem>>
    %c0_i32 = arith.constant 0 : i32
    %c0_i32_1 = arith.constant 0 : i32
    return %get3A_0, %arg0, %c0_i32 : i32, i32, i32
  }
  func.func @transform_5(%arg0: i32, %arg1: i32, %arg2: memref<32xi32, #tpu.memory_space<smem>>) -> (i32, i32, i32) {
    %get3A = arith.index_cast %arg1 : i32 to index
    %get3A_0 = memref.load %arg2[%get3A] : memref<32xi32, #tpu.memory_space<smem>>
    %c0_i32 = arith.constant 0 : i32
    %c0_i32_1 = arith.constant 0 : i32
    %c0_i32_2 = arith.constant 0 : i32
    return %get3A_0, %c0_i32, %c0_i32_1 : i32, i32, i32
  }
  func.func @transform_6(%arg0: i32, %arg1: i32, %arg2: memref<32xi32, #tpu.memory_space<smem>>) -> (i32, i32) {
    %c0_i32 = arith.constant 0 : i32
    %c0_i32_0 = arith.constant 0 : i32
    %c0_i32_1 = arith.constant 0 : i32
    return %c0_i32, %c0_i32_0 : i32, i32
  }
}

</mosaic_0001>

<sc_bundles>
// kernel: kernel.6.cloned.1.call-start
scs
__scs_entry_jumppad:
0x0: {  	(pc) =	sbr.rel $0x88, $3  }
0x1: {  	(tag) =	ssettag $0x0;
	lr =	simm.s32 $0x1  }
0x2: {  	[smem:$0x3F9A] =	sst lr;
	_ =	strace $0xD0000000  }
0x3: {  	_ = 	snop  }
0x4: {  	_ = 	snop  }
0x5: {  	_ = 	snop  }
0x6: {  	_ = 	snop  }
0x7: {  	_ = 	snop  }
__scs_overlays_trampoline_lowered:
0x8: {  	[smem:$0x3FA9] =	sst s0  }
0x9: {  	[smem:$0x3FAA] =	sst s1  }
0xa: {  	[smem:$0x3FAB] =	sst s2  }
0xb: {  	[smem:$0x3FAC] =	sst s3  }
0xc: {  	[smem:$0x3FAD] =	sst s4  }
0xd: {  	[smem:$0x3FAE] =	sst s5  }
0xe: {  	[smem:$0x3FAF] =	sst s6  }
0xf: {  	[smem:$0x3FB0] =	sst s7  }
0x10: {  	[smem:$0x3FB1] =	sst s8  }
0x11: {  	[smem:$0x3FB2] =	sst s9;
	s0 =	simm.s32 @!p0 $0x0  }
0x12: {  	s1 =	sld [smem:$0x3F98];
	s0 =	simm.s32 @p0 $0x1  }
0x13: {  	[smem:$0x3FB3] =	sst s0;
	s0 =	simm.s32 @!p1 $0x0  }
0x14: {  	s2 =	sld [smem:$0x3F97];
	s0 =	simm.s32 @p1 $0x1  }
0x15: {  	[smem:$0x3FB4] =	sst s0;
	s0 =	simm.s32 @!p2 $0x0  }
0x16: {  	s3 =	sld [smem:$0x3FDB];
	s0 =	simm.s32 @p2 $0x1  }
0x17: {  	s4 =	simm.s32 $0x1BF5;
	[smem:$0x3FB6] =	sst s0  }
0x18: {  	s0 =	sld [smem:$0x3F99];
	_ =	swait.ge [sflag:s4], $0x0  }
0x19: {  	s7 =	sld [smem:$0x3F9A]  }
0x1a: {  	s8 =	sadd.s32 $0xFFFFE003, lr  }
0x1b: {  	s9 =	sadd.s32 $0xFFFFFEF7, lr;
	s5 =	simm.s32 $0xFFFFFFFF;
	p2 =	slt.u32 s8, $0xFFFFF086  }
0x1c: {  	p1 =	slt.u32 s9, $0xF7A;
	s5 =	simm.s32 @!p2 $0x0  }
0x1d: {  	s5 =	simm.s32 @p1 $0x1;
	p0 =	seq.s32 s7, s2  }
0x1e: {  	s7 =	smul.u32 @!p0 $0xF7A, s2;
	p2 =	seq.s32 @!p0 s5, $0x0  }
0x1f: {  	s9 =	smul.u32 $0xF7A, s1;
	s8 =	simm.s32 @!p0 $0x1BF5;
	p2 =	por !p2, p0  }
0x20: {  	[sflag:s8] =	ssyncset.s32 @!p0 $0xFFFFF086;
	s6 =	sadd.s32 @!p0 s3, s7;
	s7 =	simm.s32 @!p0 $0x108  }
0x21: {  	s3 =	sadd.s32 s3, s9;
	s6 =	sadd.s32 @!p0 $0x88, s6;
	s7 =	simm.s32 @p2 $0x1082  }
0x22: {  	[simem:s7], [sflag:s8] =	dma.local @!p0 [hbm:s6], $0xF7A  }
0x23: {  	s9 =	sor.u32 $0xD0000000, s2;
	s6 =	simm.s32 $0x108;
	_ =	swait.ge @!p0 [sflag:s8], $0x0  }
0x24: {  	s3 =	sadd.s32 $0x88, s3;
	s6 =	simm.s32 @!p1 $0x1082;
	[sflag:s4] =	ssyncset.s32 $0xFFFFF086  }
0x25: {  	[simem:s6], [sflag:s4] =	dma.local [hbm:s3], $0xF7A  }
0x26: {  	[smem:$0x3F9A] =	sst s1;
	(tag) =	ssettag s2;
	_ =	strace s9  }
0x27: {  	s1 =	sld [smem:$0x3FAA]  }
0x28: {  	s2 =	sld [smem:$0x3FAB]  }
0x29: {  	s4 =	sld [smem:$0x3FAD]  }
0x2a: {  	p0 =	seq.s32 s5, $0x0;
	s5 =	sld [smem:$0x3FAE]  }
0x2b: {  	s6 =	sld [smem:$0x3FAF]  }
0x2c: {  	s7 =	sld [smem:$0x3FB0]  }
0x2d: {  	s3 =	simm.s32 $0x108;
	s8 =	sld [smem:$0x3FB1]  }
0x2e: {  	s3 =	simm.s32 @!p0 $0x1082;
	s9 =	sld [smem:$0x3FB2]  }
0x2f: {  	lr =	sadd.s32 s0, s3;
	s0 =	sld [smem:$0x3FA9]  }
0x30: {  	s3 =	sld [smem:$0x3FAC]  }
0x31: {  	[smem:$0x3FB5] =	sst s10  }
0x32: {  	s10 =	sld [smem:$0x3FB3];
	_ =	sdelay $0x3  }
0x33: {  	p0 =	seq.s32 s10, $0x1;
	s10 =	sld [smem:$0x3FB5];
	_ =	sdelay $0x3  }
0x34: {  	[smem:$0x3FB5] =	sst s10  }
0x35: {  	s10 =	sld [smem:$0x3FB4];
	_ =	sdelay $0x3  }
0x36: {  	p1 =	seq.s32 s10, $0x1;
	s10 =	sld [smem:$0x3FB5];
	_ =	sdelay $0x3  }
0x37: {  	[smem:$0x3FB5] =	sst s10  }
0x38: {  	s10 =	sld [smem:$0x3FB6]  }
0x39: {  	_ = 	snop;
	(pc) =	sbr.ind lr, $3  }
0x3a: {  	_ = 	snop  }
0x3b: {  	_ = 	snop  }
0x3c: {  	p2 =	seq.s32 s10, $0x1;
	s10 =	sld [smem:$0x3FB5]  }
0x3d: {  	_ =	shalt  }
0x3e: {  	_ =	shalt  }
0x3f: {  	_ =	shalt  }
0x40: {  	_ =	shalt  }
0x41: {  	_ =	shalt  }
0x42: {  	_ =	shalt  }
0x43: {  	_ =	shalt  }
0x44: {  	_ =	shalt  }
0x45: {  	_ =	shalt  }
0x46: {  	_ =	shalt  }
0x47: {  	_ =	shalt  }
0x48: {  	_ =	shalt  }
0x49: {  	_ =	shalt  }
0x4a: {  	_ =	shalt  }
0x4b: {  	_ =	shalt  }
0x4c: {  	_ =	shalt  }
0x4d: {  	_ =	shalt  }
0x4e: {  	_ =	shalt  }
0x4f: {  	_ =	shalt  }
0x50: {  	_ =	shalt  }
0x51: {  	_ =	shalt  }
0x52: {  	_ =	shalt  }
0x53: {  	_ =	shalt  }
0x54: {  	_ =	shalt  }
0x55: {  	_ =	shalt  }
0x56: {  	_ =	shalt  }
0x57: {  	_ =	shalt  }
0x58: {  	_ =	shalt  }
0x59: {  	_ =	shalt  }
0x5a: {  	_ =	shalt  }
0x5b: {  	_ =	shalt  }
0x5c: {  	_ =	shalt  }
0x5d: {  	_ =	shalt  }
0x5e: {  	_ =	shalt  }
0x5f: {  	_ =	shalt  }
0x60: {  	_ =	shalt  }
0x61: {  	_ =	shalt  }
0x62: {  	_ =	shalt  }
0x63: {  	_ =	shalt  }
0x64: {  	_ =	shalt  }
0x65: {  	_ =	shalt  }
0x66: {  	_ =	shalt  }
0x67: {  	_ =	shalt  }
0x68: {  	_ =	shalt  }
0x69: {  	_ =	shalt  }
0x6a: {  	_ =	shalt  }
0x6b: {  	_ =	shalt  }
0x6c: {  	_ =	shalt  }
0x6d: {  	_ =	shalt  }
0x6e: {  	_ =	shalt  }
0x6f: {  	_ =	shalt  }
0x70: {  	_ =	shalt  }
0x71: {  	_ =	shalt  }
0x72: {  	_ =	shalt  }
0x73: {  	_ =	shalt  }
0x74: {  	_ =	shalt  }
0x75: {  	_ =	shalt  }
0x76: {  	_ =	shalt  }
0x77: {  	_ =	shalt  }
0x78: {  	_ =	shalt  }
0x79: {  	_ =	shalt  }
0x7a: {  	_ =	shalt  }
0x7b: {  	_ =	shalt  }
0x7c: {  	_ =	shalt  }
0x7d: {  	_ =	shalt  }
0x7e: {  	_ =	shalt  }
0x7f: {  	_ =	shalt  }
0x80: {  	_ =	shalt  }
0x81: {  	_ =	shalt  }
0x82: {  	_ =	shalt  }
0x83: {  	_ =	shalt  }
0x84: {  	_ =	shalt  }
0x85: {  	_ =	shalt  }
0x86: {  	_ =	shalt  }
0x87: {  	_ =	shalt  }
.Lfunc_end0:
.L_simem_size_0:
called_computation_lowered:
.L_overlay_start_0:
0x88: {  	s2 =	sld [smem:$0x3FD9]  }
0x89: {  	s3 =	sld [smem:$0x3FFE];
	_ =	sdelay $0x1  }
0x8a: {  	s1 =	srdreg.scid  }
0x8b: {  	s0 =	sand.u32 $0x1, s1  }
0x8c: {  	s17 =	sshll.u32 s0, $0xA;
	s2 =	sadd.s32 s3, s2  }
0x8d: {  	s2 =	sadd.s32 s2, s17  }
0x8e: {  	[smem:$0x3FC1] =	sst s2  }
0x8f: {  	_ = 	snop  }
0x90: {  	s2 =	sld [smem:$0x3FC9]  }
0x91: {  	s18 =	sld [smem:$0x3FD0];
	(tm) =	ssettm $0x1  }
0x92: {  	s4 =	sld [smem:$0x3FFB];
	_ =	sdelay $0x3  }
0x93: {  	_ =	strace s4  }
0x94: {  	s4 =	sld [smem:$0x3FFC];
	_ =	sdelay $0x3  }
0x95: {  	_ =	strace s4  }
0x96: {  	s4 =	sld [smem:$0x3FFD];
	_ =	sdelay $0x3  }
0x97: {  	_ =	strace s4  }
0x98: {  	_ =	strace $0x8FFFFFFF  }
0x99: {  	s19 =	sld [smem:$0x3FDB];
	_ =	sdelay $0x1  }
0x9a: {  	s5 =	simm.s32 $_scs_section_size  }
0x9b: {  	s6 =	simm.s32 $_size__tile_overlayer_lowered;
	s7 =	simm.s32 $_tile_overlayer_lowered  }
0x9c: {  	s22 =	simm.s32 $0x1BFF;
	s21 =	sshll.u32 s7, $0x1;
	s4 =	sadd.s32 s5, s19  }
0x9d: {  	s8 =	simm.s32 $0x0;
	s20 =	sshll.u32 s6, $0x1;
	s6 =	sadd.s32 s21, s4  }
0x9e: {  	[timem:s8], [sflag:s22] =	dma.local [hbm:s6], s20  }
0x9f: {  	_ =	swait.ge [sflag:s22], s20  }
0xa0: {  	s5 =	ssub.s32 $0x0, s20;
	[sflag:s22] =	ssyncset.done $0x0  }
0xa1: {  	[sflag:s22] =	ssyncadd.s32 s5;
	_ =	sdelay $0x1  }
0xa2: {  	s23 =	simm.s32 $0x1B8B  }
0xa3: {  	_ =	swait.ge [sflag:s23], $0x1  }
0xa4: {  	[sflag:s23] =	ssyncset.done $0x0  }
0xa5: {  	s25 =	simm.s32 $0x1B8E;
	s24 =	sld [smem:$0x3FFE];
	[sflag:s23] =	ssyncadd.s32 $0xFFFFFFFF  }
0xa6: {  	s26 =	simm.s32 $execute0_lowered;
	[smem:$0x3FD2] =	sst s25  }
0xa7: {  	s6 =	sshll.u32 s26, $0x1;
	_ =	strace $0x80000046;
	[dreg:$0x1] =	wrdreg $0xFFFFFFFF  }
0xa8: {  	s28 =	simm.s32 $_size_execute0_lowered;
	s4 =	sadd.s32 s4, s6;
	[dreg:$0x0] =	wrdreg $0x0  }
0xa9: {  	s6 =	sshll.u32 s28, $0x1;
	[dreg:$0x2] =	wrdreg s4  }
0xaa: {  	[dreg:$0x3] =	wrdreg s6  }
0xab: {  	[dreg:$0x4] =	wrdreg $0xC0  }
0xac: {  	_ =	task [dreg:s8], $0x5FFFF  }
0xad: {  	[dreg:$0x1] =	wrdreg $0xFFFFFFFF  }
0xae: {  	[dreg:$0x0] =	wrdreg $0x60  }
0xaf: {  	[dreg:$0x2] =	wrdreg s2  }
0xb0: {  	[dreg:$0x3] =	wrdreg s24  }
0xb1: {  	[dreg:$0x4] =	wrdreg s18  }
0xb2: {  	[dreg:$0x5] =	wrdreg $0x9  }
0xb3: {  	_ =	task.clear_ibuf [dreg:s8], $0x6FFFF;
	_ =	strace $0x90000046  }
0xb4: {  	s29 =	simm.s32 $0x9;
	_ =	strace $0x80000048  }
0xb5: {  	_ =	swait.ge [sflag:s29], $0x1  }
0xb6: {  	[sflag:s29] =	ssyncadd.s32 $0xFFFFFFFF  }
0xb7: {  	_ =	strace $0x90000048  }
0xb8: {  	_ =	sfence  }
0xb9: {  	s30 =	sld [smem:$0x0];
	_ =	sdelay $0x2  }
0xba: {  	s31 =	sshll.u32 s1, $0xD;
	s1 =	sshrl.u32 s1, $0x2  }
0xbb: {  	s3 =	sand.u32 $0x4000, s31;
	s1 =	sadd.s32 s1, s30  }
0xbc: {  	s0 =	sor.u32 s3, s0;
	s1 =	sshll.u32 s1, $0x11  }
0xbd: {  	s0 =	sor.u32 s1, s0  }
0xbe: {  	s0 =	sadd.s32 $0x8F2B, s0  }
0xbf: {  	[sflag:s0] =	ssyncadd.remote.s32 $0x1  }
0xc0: {  	_ =	sfence.sel $0xFFFF  }
0xc1: {  	[dreg:$0x0] =	wrdreg $0xFFFFFFFF;
	(pc) =	sbr.abs _section_cstart, $3  }
0xc2: {  	[dreg:$0x1] =	wrdreg $0xFFFFFFFF  }
0xc3: {  	_ =	task.clear_ibuf [dreg:s8], $0x2FFFF;
	_ =	strace $0x9FFFFFFF  }
0xc4: {  	(tm) =	ssettm $0x7FFFFFFF  }
0xc5: {  	_ =	shalt  }
tec
execute0_lowered:
.L_overlay_start_1:
0x0: {  	(tag) =	ssettag $0x1  }
0x1: {  	s0 =	rddreg [dreg:$0x0]  }
0x2: {  	s6 =	rddreg [dreg:$0x1]  }
0x3: {  	s1 =	rddreg [dreg:$0x2];
	s2 =	srdreg.scid  }
0x4: {  	[dreg:$0x4] =	wrdreg s1;
	s4 =	sand.u32 $0x1, s2;
	s2 =	simm.s32 $0x0  }
0x5: {  	s12 =	simm.s32 $0x880;
	[smem:$0x7FF] =	sst s2  }
0x6: {  	s13 =	simm.s32 $0x1080;
	_ =	strace $0x80000047;
	[dreg:$0x8] =	wrdreg s12  }
0x7: {  	s9 =	stileid.u32;
	s14 =	simm.s32 $0x1880;
	[dreg:$0x9] =	wrdreg s13  }
0x8: {  	s16 =	simm.s32 $0x2080;
	s18 =	simm.s32 $0x2880;
	[dreg:$0xa] =	wrdreg s14  }
0x9: {  	s19 =	simm.s32 $0x3080;
	s20 =	simm.s32 $0x3880;
	[dreg:$0xb] =	wrdreg s16  }
0xa: {  	s21 =	simm.s32 $0x4080;
	s22 =	simm.s32 $0x4880;
	[dreg:$0xc] =	wrdreg s18  }
0xb: {  	s8 =	simm.s32 $0x80;
	s23 =	simm.s32 $0x5080;
	[dreg:$0xd] =	wrdreg s19  }
0xc: {  	s24 =	simm.s32 $0x5880;
	s25 =	simm.s32 $0x6080;
	[dreg:$0xe] =	wrdreg s20  }
0xd: {  	s26 =	simm.s32 $0x6880;
	s28 =	simm.s32 $0xE080;
	[dreg:$0xf] =	wrdreg s21  }
0xe: {  	s29 =	simm.s32 $0xE880;
	s30 =	simm.s32 $0xF080;
	[dreg:$0x10] =	wrdreg s22  }
0xf: {  	s31 =	simm.s32 $0xF880;
	s3 =	sshll.u32 s9, $0x7;
	[dreg:$0x11] =	wrdreg s23  }
0x10: {  	s9 =	simm.s32 $0x10080;
	s5 =	sshll.u32 s4, $0x6;
	[dreg:$0x12] =	wrdreg s24  }
0x11: {  	s4 =	ssub.s32 $0x2, s4;
	s3 =	sor.u32 s5, s3;
	[dreg:$0x13] =	wrdreg s25  }
0x12: {  	s15 =	sshrl.u32 s4, $0x1;
	s12 =	simm.s32 $0x2;
	[dreg:$0x14] =	wrdreg s26  }
0x13: {  	s14 =	simm.s32 $0x7880;
	s16 =	simm.s32 $0x8880;
	s18 =	simm.s32 $0x9880  }
0x14: {  	s19 =	simm.s32 $0xA080;
	s20 =	simm.s32 $0xA880;
	s21 =	simm.s32 $0xB080  }
0x15: {  	s22 =	simm.s32 $0xB880;
	s23 =	simm.s32 $0xC080;
	s24 =	simm.s32 $0xC880  }
0x16: {  	s25 =	simm.s32 $0xD080;
	s26 =	simm.s32 $0xD880;
	s5 =	sshll.u32 s3, $0x4  }
0x17: {  	s7 =	sshll.u32 s3, $0x7;
	s3 =	sshrl.u32 s3, $0x3;
	s17 =	ssub.s32 s4, s15  }
0x18: {  	s4 =	sadd.s32 $0x8B00, s6;
	s15 =	simm.s32 $0x8080;
	s5 =	sadd.s32 s5, s6  }
0x19: {  	s0 =	sadd.s32 s0, s7;
	s3 =	sadd.s32 s3, s6;
	s7 =	smax.u32 s17, $0x1  }
0x1a: {  	s17 =	simm.s32 $0x9080;
	[dreg:$0x5] =	wrdreg s0;
	s10 =	sadd.s32 $0x800, s5  }
0x1b: {  	v2 =	vlaneseq.u32;
	s11 =	sadd.s32 $0x8800, s3;
	s3 =	sadd.s32 $0x8A00, s6;
	s5 =	sadd.s32 $0x8C00, s6  }
0x1c: {  	vm0 =	vmmov $0xffff;
	v1 =	vshrl.u32 v2, $0x3;
	s6 =	sadd.s32 $0x8D00, s6;
	s0 =	simm.s32 $0x40;
	[dreg:$0x6] =	wrdreg s10  }
0x1d: {  	v0 =	vand.u32 $0x7, v2;
	v2 =	vor.u32 $0x8, v2;
	v1 =	vmul.u32 $0x8, v1;
	[dreg:$0x7] =	wrdreg s11;
	s10 =	simm.s32 $0x3;
	s11 =	simm.s32 $0x1  }
.LBB2_1:
0x1e: {  	s1 =	rddreg [dreg:$0x5]  }
0x1f: {  	[tilespmem:s8], [sflag:$0x1] =	stream.linear.gather [hbm4b:s1+s2], $0x10000, $0x38;
	[tilespmem:$0x12080] =	vst v63  }
0x20: {  	s13 =	rddreg [dreg:$0x6]  }
0x21: {  	[tilespmem:s9], [sflag:$0x2] =	stream.linear.gather [hbm4b:s13+s2], $0x2000, $0x38;
	[tilespmem:$0x12080] =	vst v63  }
0x22: {  	s1 =	rddreg [dreg:$0x7]  }
0x23: {  	[tilespmem:s2], [sflag:$0x3] =	stream.linear.gather [hbm4b:s1+s2], $0x40, $0x38;
	[tilespmem:$0x12080] =	vst v63  }
0x24: {  	_ =	swait.ge [sflag:s10], $0x40  }
0x25: {  	[sflag:s10] =	ssyncset.done $0x0  }
0x26: {  	[sflag:s10] =	ssyncadd.s32 $0xFFFFFFC0  }
0x27: {  	_ =	swait.ge [sflag:s11], $0x10000  }
0x28: {  	[sflag:s11] =	ssyncset.done $0x0  }
0x29: {  	[sflag:s11] =	ssyncadd.s32 $0xFFFF0000  }
0x2a: {  	_ =	swait.ge [sflag:s12], $0x2000  }
0x2b: {  	[sflag:s12] =	ssyncset.done $0x0  }
0x2c: {  	[sflag:s12] =	ssyncadd.s32 $0xFFFFE000  }
0x2d: {  	v3 =	vld [tilespmem:$0x0];
	_ =	sdelay $0x4  }
0x2e: {  	v4 =	vshll.u32 v3, $0x3  }
0x2f: {  	v3 =	vand.u32 $0x7, v3;
	v4 =	vand.u32 $0xFFFFFFC0, v4  }
0x30: {  	v3 =	vor.u32 v3, v4  }
0x31: {  	v4 =	vperm.xlane v3, v0;
	_ =	sdelay $0x1  }
0x32: {  	v4 =	vadd.s32 v1, v4;
	_ =	sdelay $0x4  }
0x33: {  	[hbm4b:s3+s2] =	stream.indirect_vreg.scatter [tilespmem:s8], [sflag:$0x1], $0x80, v4, vm0, $0xb8;
	[tilespmem:$0x12080] =	vst v63  }
0x34: {  	s1 =	rddreg [dreg:$0x8];
	v3 =	vperm.xlane v3, v2  }
0x35: {  	[hbm4b:s4+s2] =	stream.indirect_vreg.scatter [tilespmem:s1], [sflag:$0x1], $0x80, v4, vm0, $0xb8;
	[tilespmem:$0x12080] =	vst v63  }
0x36: {  	s13 =	rddreg [dreg:$0x9];
	v3 =	vadd.s32 v1, v3  }
0x37: {  	[hbm4b:s5+s2] =	stream.indirect_vreg.scatter [tilespmem:s13], [sflag:$0x1], $0x80, v4, vm0, $0xb8;
	[tilespmem:$0x12080] =	vst v63  }
0x38: {  	s1 =	rddreg [dreg:$0xa]  }
0x39: {  	[hbm4b:s6+s2] =	stream.indirect_vreg.scatter [tilespmem:s1], [sflag:$0x1], $0x80, v4, vm0, $0xb8;
	[tilespmem:$0x12080] =	vst v63  }
0x3a: {  	s13 =	rddreg [dreg:$0xb]  }
0x3b: {  	[hbm4b:s3+s2] =	stream.indirect_vreg.scatter [tilespmem:s13], [sflag:$0x1], $0x80, v3, vm0, $0xb8;
	[tilespmem:$0x12080] =	vst v63  }
0x3c: {  	s1 =	rddreg [dreg:$0xc]  }
0x3d: {  	[hbm4b:s4+s2] =	stream.indirect_vreg.scatter [tilespmem:s1], [sflag:$0x1], $0x80, v3, vm0, $0xb8;
	[tilespmem:$0x12080] =	vst v63  }
0x3e: {  	s13 =	rddreg [dreg:$0xd]  }
0x3f: {  	[hbm4b:s5+s2] =	stream.indirect_vreg.scatter [tilespmem:s13], [sflag:$0x1], $0x80, v3, vm0, $0xb8;
	[tilespmem:$0x12080] =	vst v63  }
0x40: {  	s1 =	rddreg [dreg:$0xe]  }
0x41: {  	[hbm4b:s6+s2] =	stream.indirect_vreg.scatter [tilespmem:s1], [sflag:$0x1], $0x80, v3, vm0, $0xb8;
	[tilespmem:$0x12080] =	vst v63  }
0x42: {  	v3 =	vld [tilespmem:$0x10];
	_ =	sdelay $0x4  }
0x43: {  	v61 =	vshll.u32 v3, $0x3  }
0x44: {  	v3 =	vand.u32 $0x7, v3;
	v4 =	vand.u32 $0xFFFFFFC0, v61  }
0x45: {  	v3 =	vor.u32 v3, v4  }
0x46: {  	v4 =	vperm.xlane v3, v0;
	_ =	sdelay $0x1  }
0x47: {  	v4 =	vadd.s32 v1, v4;
	_ =	sdelay $0x3  }
0x48: {  	s1 =	rddreg [dreg:$0xf]  }
0x49: {  	[hbm4b:s3+s2] =	stream.indirect_vreg.scatter [tilespmem:s1], [sflag:$0x1], $0x80, v4, vm0, $0xb8;
	[tilespmem:$0x12080] =	vst v63  }
0x4a: {  	s13 =	rddreg [dreg:$0x10];
	v3 =	vperm.xlane v3, v2  }
0x4b: {  	[hbm4b:s4+s2] =	stream.indirect_vreg.scatter [tilespmem:s13], [sflag:$0x1], $0x80, v4, vm0, $0xb8;
	[tilespmem:$0x12080] =	vst v63  }
0x4c: {  	v3 =	vadd.s32 v1, v3;
	s1 =	rddreg [dreg:$0x11]  }
0x4d: {  	[hbm4b:s5+s2] =	stream.indirect_vreg.scatter [tilespmem:s1], [sflag:$0x1], $0x80, v4, vm0, $0xb8;
	[tilespmem:$0x12080] =	vst v63  }
0x4e: {  	s13 =	rddreg [dreg:$0x12]  }
0x4f: {  	[hbm4b:s6+s2] =	stream.indirect_vreg.scatter [tilespmem:s13], [sflag:$0x1], $0x80, v4, vm0, $0xb8;
	[tilespmem:$0x12080] =	vst v63  }
0x50: {  	s1 =	rddreg [dreg:$0x13]  }
0x51: {  	[hbm4b:s3+s2] =	stream.indirect_vreg.scatter [tilespmem:s1], [sflag:$0x1], $0x80, v3, vm0, $0xb8;
	[tilespmem:$0x12080] =	vst v63  }
0x52: {  	s13 =	rddreg [dreg:$0x14]  }
0x53: {  	[hbm4b:s4+s2] =	stream.indirect_vreg.scatter [tilespmem:s13], [sflag:$0x1], $0x80, v3, vm0, $0xb8;
	[tilespmem:$0x12080] =	vst v63  }
0x54: {  	s13 =	simm.s32 $0x7080  }
0x55: {  	[hbm4b:s5+s2] =	stream.indirect_vreg.scatter [tilespmem:s13], [sflag:$0x1], $0x80, v3, vm0, $0xb8;
	[tilespmem:$0x12080] =	vst v63  }
0x56: {  	_ = 	snop  }
0x57: {  	[hbm4b:s6+s2] =	stream.indirect_vreg.scatter [tilespmem:s14], [sflag:$0x1], $0x80, v3, vm0, $0xb8;
	[tilespmem:$0x12080] =	vst v63  }
0x58: {  	v3 =	vld [tilespmem:$0x20];
	_ =	sdelay $0x4  }
0x59: {  	v62 =	vshll.u32 v3, $0x3  }
0x5a: {  	v3 =	vand.u32 $0x7, v3;
	v4 =	vand.u32 $0xFFFFFFC0, v62  }
0x5b: {  	v3 =	vor.u32 v3, v4  }
0x5c: {  	v4 =	vperm.xlane v3, v0;
	_ =	sdelay $0x1  }
0x5d: {  	v4 =	vadd.s32 v1, v4;
	_ =	sdelay $0x4  }
0x5e: {  	[hbm4b:s3+s2] =	stream.indirect_vreg.scatter [tilespmem:s15], [sflag:$0x1], $0x80, v4, vm0, $0xb8;
	[tilespmem:$0x12080] =	vst v63  }
0x5f: {  	v3 =	vperm.xlane v3, v2  }
0x60: {  	[hbm4b:s4+s2] =	stream.indirect_vreg.scatter [tilespmem:s16], [sflag:$0x1], $0x80, v4, vm0, $0xb8;
	[tilespmem:$0x12080] =	vst v63  }
0x61: {  	v3 =	vadd.s32 v1, v3  }
0x62: {  	[hbm4b:s5+s2] =	stream.indirect_vreg.scatter [tilespmem:s17], [sflag:$0x1], $0x80, v4, vm0, $0xb8;
	[tilespmem:$0x12080] =	vst v63  }
0x63: {  	_ = 	snop  }
0x64: {  	[hbm4b:s6+s2] =	stream.indirect_vreg.scatter [tilespmem:s18], [sflag:$0x1], $0x80, v4, vm0, $0xb8;
	[tilespmem:$0x12080] =	vst v63  }
0x65: {  	_ = 	snop  }
0x66: {  	[hbm4b:s3+s2] =	stream.indirect_vreg.scatter [tilespmem:s19], [sflag:$0x1], $0x80, v3, vm0, $0xb8;
	[tilespmem:$0x12080] =	vst v63  }
0x67: {  	_ = 	snop  }
0x68: {  	[hbm4b:s4+s2] =	stream.indirect_vreg.scatter [tilespmem:s20], [sflag:$0x1], $0x80, v3, vm0, $0xb8;
	[tilespmem:$0x12080] =	vst v63  }
0x69: {  	_ = 	snop  }
0x6a: {  	[hbm4b:s5+s2] =	stream.indirect_vreg.scatter [tilespmem:s21], [sflag:$0x1], $0x80, v3, vm0, $0xb8;
	[tilespmem:$0x12080] =	vst v63  }
0x6b: {  	_ = 	snop  }
0x6c: {  	[hbm4b:s6+s2] =	stream.indirect_vreg.scatter [tilespmem:s22], [sflag:$0x1], $0x80, v3, vm0, $0xb8;
	[tilespmem:$0x12080] =	vst v63  }
0x6d: {  	v3 =	vld [tilespmem:$0x30];
	_ =	sdelay $0x4  }
0x6e: {  	v63 =	vshll.u32 v3, $0x3  }
0x6f: {  	v3 =	vand.u32 $0x7, v3;
	v4 =	vand.u32 $0xFFFFFFC0, v63  }
0x70: {  	v3 =	vor.u32 v3, v4  }
0x71: {  	v4 =	vperm.xlane v3, v0;
	_ =	sdelay $0x1  }
0x72: {  	v4 =	vadd.s32 v1, v4;
	_ =	sdelay $0x4  }
0x73: {  	[hbm4b:s3+s2] =	stream.indirect_vreg.scatter [tilespmem:s23], [sflag:$0x1], $0x80, v4, vm0, $0xb8;
	[tilespmem:$0x12080] =	vst v63  }
0x74: {  	v3 =	vperm.xlane v3, v2  }
0x75: {  	[hbm4b:s4+s2] =	stream.indirect_vreg.scatter [tilespmem:s24], [sflag:$0x1], $0x80, v4, vm0, $0xb8;
	[tilespmem:$0x12080] =	vst v63  }
0x76: {  	v3 =	vadd.s32 v1, v3  }
0x77: {  	[hbm4b:s5+s2] =	stream.indirect_vreg.scatter [tilespmem:s25], [sflag:$0x1], $0x80, v4, vm0, $0xb8;
	[tilespmem:$0x12080] =	vst v63  }
0x78: {  	_ = 	snop  }
0x79: {  	[hbm4b:s6+s2] =	stream.indirect_vreg.scatter [tilespmem:s26], [sflag:$0x1], $0x80, v4, vm0, $0xb8;
	[tilespmem:$0x12080] =	vst v63  }
0x7a: {  	_ = 	snop  }
0x7b: {  	[hbm4b:s3+s2] =	stream.indirect_vreg.scatter [tilespmem:s28], [sflag:$0x1], $0x80, v3, vm0, $0xb8;
	[tilespmem:$0x12080] =	vst v63  }
0x7c: {  	_ = 	snop  }
0x7d: {  	[hbm4b:s4+s2] =	stream.indirect_vreg.scatter [tilespmem:s29], [sflag:$0x1], $0x80, v3, vm0, $0xb8;
	[tilespmem:$0x12080] =	vst v63  }
0x7e: {  	_ = 	snop  }
0x7f: {  	[hbm4b:s5+s2] =	stream.indirect_vreg.scatter [tilespmem:s30], [sflag:$0x1], $0x80, v3, vm0, $0xb8;
	[tilespmem:$0x12080] =	vst v63  }
0x80: {  	_ = 	snop  }
0x81: {  	[hbm4b:s6+s2] =	stream.indirect_vreg.scatter [tilespmem:s31], [sflag:$0x1], $0x80, v3, vm0, $0xb8;
	[tilespmem:$0x12080] =	vst v63  }
0x82: {  	s13 =	rddreg [dreg:$0x4]  }
0x83: {  	[hbm4b:s13+s0] =	stream.indirect.scatter [tilespmem:s9], [sflag:$0x2], $0x80, s2, s0, $0xb8;
	[tilespmem:$0x12080] =	vst v63  }
0x84: {  	p0 =	sne.s32 s7, $0x1;
	_ =	swait.ge [sflag:s11], $0x10000  }
.Ltmp0:
0x85: {  	[sflag:s11] =	ssyncset.done $0x0;
	(pc) =	sbr.rel @p0 .LBB2_1-.Ltmp0, $4  }
0x86: {  	[sflag:s11] =	ssyncadd.s32 $0xFFFF0000  }
0x87: {  	_ =	swait.ge [sflag:s12], $0x2000  }
0x88: {  	[sflag:s12] =	ssyncset.done $0x0  }
0x89: {  	s7 =	sadd.s32 $0xFFFFFFFF, s7;
	[sflag:s12] =	ssyncadd.s32 $0xFFFFE000  }
0x8a: {  	_ =	sfence.sel $0x180000  }
0x8b: {  	[bflag:$0x0] =	sbarrier.arrive $0xFFFF  }
0x8c: {  	_ =	strace $0x90000047  }
0x8d: {  	s0 =	stileid.u32;
	[bflag:$0x2] =	sbarrier.arrive $0xFFFF  }
0x8e: {  	p0 =	sne.s32 s0, $0x0;
	s0 =	rddreg [dreg:$0x3]  }
0x8f: {  	s0 =	sadd.s32 @!p0 $0x100000, s0  }
0x90: {  	[sflag:s0] =	ssyncadd.tile.s32 @!p0 $0x1;
	_ =	shalt  }
.Lfunc_end2:
_tile_overlayer_lowered:
.L_overlay_start_2:
0x91: {  	(tag) =	ssettag $0x2  }
0x92: {  	s0 =	rddreg [dreg:$0x0];
	s2 =	stileid.u32  }
0x93: {  	s1 =	rddreg [dreg:$0x1];
	p0 =	sne.s32 s2, $0x0  }
0x94: {  	s3 =	rddreg [dreg:$0x2];
	[bflag:$0x3] =	sbarrier.arrive $0xFFFF;
	s2 =	simm.s32 @!p0 $0x1C03  }
0x95: {  	[timem:s3], [sflag:s2] =	dma.local @!p0 [hbm:s0], s1  }
0x96: {  	s0 =	simm.s32 @!p0 $0x3  }
0x97: {  	_ =	swait.ge @!p0 [sflag:s0], s1  }
0x98: {  	s1 =	ssub.s32 @!p0 $0x0, s1;
	[sflag:s0] =	ssyncset.done @!p0 $0x0  }
0x99: {  	[sflag:s0] =	ssyncadd.s32 @!p0 s1  }
0x9a: {  	[bflag:$0x3] =	sbarrier.arrive $0xFFFF  }
0x9b: {  	_ =	shalt  }

// kernel: kernel.9.cloned.1.call-start
scs
__scs_entry_jumppad:
0x0: {  	(pc) =	sbr.rel $0x88, $3  }
0x1: {  	(tag) =	ssettag $0x0;
	lr =	simm.s32 $0x1  }
0x2: {  	[smem:$0x3F9A] =	sst lr;
	_ =	strace $0xD0000000  }
0x3: {  	_ = 	snop  }
0x4: {  	_ = 	snop  }
0x5: {  	_ = 	snop  }
0x6: {  	_ = 	snop  }
0x7: {  	_ = 	snop  }
__scs_overlays_trampoline_lowered:
0x8: {  	[smem:$0x3FA9] =	sst s0  }
0x9: {  	[smem:$0x3FAA] =	sst s1  }
0xa: {  	[smem:$0x3FAB] =	sst s2  }
0xb: {  	[smem:$0x3FAC] =	sst s3  }
0xc: {  	[smem:$0x3FAD] =	sst s4  }
0xd: {  	[smem:$0x3FAE] =	sst s5  }
0xe: {  	[smem:$0x3FAF] =	sst s6  }
0xf: {  	[smem:$0x3FB0] =	sst s7  }
0x10: {  	[smem:$0x3FB1] =	sst s8  }
0x11: {  	[smem:$0x3FB2] =	sst s9;
	s0 =	simm.s32 @!p0 $0x0  }
0x12: {  	s1 =	sld [smem:$0x3F98];
	s0 =	simm.s32 @p0 $0x1  }
0x13: {  	[smem:$0x3FB3] =	sst s0;
	s0 =	simm.s32 @!p1 $0x0  }
0x14: {  	s2 =	sld [smem:$0x3F97];
	s0 =	simm.s32 @p1 $0x1  }
0x15: {  	[smem:$0x3FB4] =	sst s0;
	s0 =	simm.s32 @!p2 $0x0  }
0x16: {  	s3 =	sld [smem:$0x3FDB];
	s0 =	simm.s32 @p2 $0x1  }
0x17: {  	s4 =	simm.s32 $0x1BF5;
	[smem:$0x3FB6] =	sst s0  }
0x18: {  	s0 =	sld [smem:$0x3F99];
	_ =	swait.ge [sflag:s4], $0x0  }
0x19: {  	s7 =	sld [smem:$0x3F9A]  }
0x1a: {  	s8 =	sadd.s32 $0xFFFFE003, lr  }
0x1b: {  	s9 =	sadd.s32 $0xFFFFFEF7, lr;
	s5 =	simm.s32 $0xFFFFFFFF;
	p2 =	slt.u32 s8, $0xFFFFF086  }
0x1c: {  	p1 =	slt.u32 s9, $0xF7A;
	s5 =	simm.s32 @!p2 $0x0  }
0x1d: {  	s5 =	simm.s32 @p1 $0x1;
	p0 =	seq.s32 s7, s2  }
0x1e: {  	s7 =	smul.u32 @!p0 $0xF7A, s2;
	p2 =	seq.s32 @!p0 s5, $0x0  }
0x1f: {  	s9 =	smul.u32 $0xF7A, s1;
	s8 =	simm.s32 @!p0 $0x1BF5;
	p2 =	por !p2, p0  }
0x20: {  	[sflag:s8] =	ssyncset.s32 @!p0 $0xFFFFF086;
	s6 =	sadd.s32 @!p0 s3, s7;
	s7 =	simm.s32 @!p0 $0x108  }
0x21: {  	s3 =	sadd.s32 s3, s9;
	s6 =	sadd.s32 @!p0 $0x88, s6;
	s7 =	simm.s32 @p2 $0x1082  }
0x22: {  	[simem:s7], [sflag:s8] =	dma.local @!p0 [hbm:s6], $0xF7A  }
0x23: {  	s9 =	sor.u32 $0xD0000000, s2;
	s6 =	simm.s32 $0x108;
	_ =	swait.ge @!p0 [sflag:s8], $0x0  }
0x24: {  	s3 =	sadd.s32 $0x88, s3;
	s6 =	simm.s32 @!p1 $0x1082;
	[sflag:s4] =	ssyncset.s32 $0xFFFFF086  }
0x25: {  	[simem:s6], [sflag:s4] =	dma.local [hbm:s3], $0xF7A  }
0x26: {  	[smem:$0x3F9A] =	sst s1;
	(tag) =	ssettag s2;
	_ =	strace s9  }
0x27: {  	s1 =	sld [smem:$0x3FAA]  }
0x28: {  	s2 =	sld [smem:$0x3FAB]  }
0x29: {  	s4 =	sld [smem:$0x3FAD]  }
0x2a: {  	p0 =	seq.s32 s5, $0x0;
	s5 =	sld [smem:$0x3FAE]  }
0x2b: {  	s6 =	sld [smem:$0x3FAF]  }
0x2c: {  	s7 =	sld [smem:$0x3FB0]  }
0x2d: {  	s3 =	simm.s32 $0x108;
	s8 =	sld [smem:$0x3FB1]  }
0x2e: {  	s3 =	simm.s32 @!p0 $0x1082;
	s9 =	sld [smem:$0x3FB2]  }
0x2f: {  	lr =	sadd.s32 s0, s3;
	s0 =	sld [smem:$0x3FA9]  }
0x30: {  	s3 =	sld [smem:$0x3FAC]  }
0x31: {  	[smem:$0x3FB5] =	sst s10  }
0x32: {  	s10 =	sld [smem:$0x3FB3];
	_ =	sdelay $0x3  }
0x33: {  	p0 =	seq.s32 s10, $0x1;
	s10 =	sld [smem:$0x3FB5];
	_ =	sdelay $0x3  }
0x34: {  	[smem:$0x3FB5] =	sst s10  }
0x35: {  	s10 =	sld [smem:$0x3FB4];
	_ =	sdelay $0x3  }
0x36: {  	p1 =	seq.s32 s10, $0x1;
	s10 =	sld [smem:$0x3FB5];
	_ =	sdelay $0x3  }
0x37: {  	[smem:$0x3FB5] =	sst s10  }
0x38: {  	s10 =	sld [smem:$0x3FB6]  }
0x39: {  	_ = 	snop;
	(pc) =	sbr.ind lr, $3  }
0x3a: {  	_ = 	snop  }
0x3b: {  	_ = 	snop  }
0x3c: {  	p2 =	seq.s32 s10, $0x1;
	s10 =	sld [smem:$0x3FB5]  }
0x3d: {  	_ =	shalt  }
0x3e: {  	_ =	shalt  }
0x3f: {  	_ =	shalt  }
0x40: {  	_ =	shalt  }
0x41: {  	_ =	shalt  }
0x42: {  	_ =	shalt  }
0x43: {  	_ =	shalt  }
0x44: {  	_ =	shalt  }
0x45: {  	_ =	shalt  }
0x46: {  	_ =	shalt  }
0x47: {  	_ =	shalt  }
0x48: {  	_ =	shalt  }
0x49: {  	_ =	shalt  }
0x4a: {  	_ =	shalt  }
0x4b: {  	_ =	shalt  }
0x4c: {  	_ =	shalt  }
0x4d: {  	_ =	shalt  }
0x4e: {  	_ =	shalt  }
0x4f: {  	_ =	shalt  }
0x50: {  	_ =	shalt  }
0x51: {  	_ =	shalt  }
0x52: {  	_ =	shalt  }
0x53: {  	_ =	shalt  }
0x54: {  	_ =	shalt  }
0x55: {  	_ =	shalt  }
0x56: {  	_ =	shalt  }
0x57: {  	_ =	shalt  }
0x58: {  	_ =	shalt  }
0x59: {  	_ =	shalt  }
0x5a: {  	_ =	shalt  }
0x5b: {  	_ =	shalt  }
0x5c: {  	_ =	shalt  }
0x5d: {  	_ =	shalt  }
0x5e: {  	_ =	shalt  }
0x5f: {  	_ =	shalt  }
0x60: {  	_ =	shalt  }
0x61: {  	_ =	shalt  }
0x62: {  	_ =	shalt  }
0x63: {  	_ =	shalt  }
0x64: {  	_ =	shalt  }
0x65: {  	_ =	shalt  }
0x66: {  	_ =	shalt  }
0x67: {  	_ =	shalt  }
0x68: {  	_ =	shalt  }
0x69: {  	_ =	shalt  }
0x6a: {  	_ =	shalt  }
0x6b: {  	_ =	shalt  }
0x6c: {  	_ =	shalt  }
0x6d: {  	_ =	shalt  }
0x6e: {  	_ =	shalt  }
0x6f: {  	_ =	shalt  }
0x70: {  	_ =	shalt  }
0x71: {  	_ =	shalt  }
0x72: {  	_ =	shalt  }
0x73: {  	_ =	shalt  }
0x74: {  	_ =	shalt  }
0x75: {  	_ =	shalt  }
0x76: {  	_ =	shalt  }
0x77: {  	_ =	shalt  }
0x78: {  	_ =	shalt  }
0x79: {  	_ =	shalt  }
0x7a: {  	_ =	shalt  }
0x7b: {  	_ =	shalt  }
0x7c: {  	_ =	shalt  }
0x7d: {  	_ =	shalt  }
0x7e: {  	_ =	shalt  }
0x7f: {  	_ =	shalt  }
0x80: {  	_ =	shalt  }
0x81: {  	_ =	shalt  }
0x82: {  	_ =	shalt  }
0x83: {  	_ =	shalt  }
0x84: {  	_ =	shalt  }
0x85: {  	_ =	shalt  }
0x86: {  	_ =	shalt  }
0x87: {  	_ =	shalt  }
.Lfunc_end0:
.L_simem_size_0:
called_computation.1_lowered:
.L_overlay_start_0:
0x88: {  	s2 =	sld [smem:$0x3FD9]  }
0x89: {  	s3 =	sld [smem:$0x3FFE];
	_ =	sdelay $0x1  }
0x8a: {  	s1 =	srdreg.scid  }
0x8b: {  	s0 =	sand.u32 $0x1, s1  }
0x8c: {  	s17 =	sshll.u32 s0, $0xA;
	s2 =	sadd.s32 s3, s2  }
0x8d: {  	s2 =	sadd.s32 s2, s17  }
0x8e: {  	[smem:$0x3FC1] =	sst s2  }
0x8f: {  	_ = 	snop  }
0x90: {  	s2 =	sld [smem:$0x3FD0];
	(tm) =	ssettm $0x1  }
0x91: {  	s18 =	sld [smem:$0x3FFB];
	_ =	sdelay $0x3  }
0x92: {  	_ =	strace s18  }
0x93: {  	s3 =	sld [smem:$0x3FFC];
	_ =	sdelay $0x3  }
0x94: {  	_ =	strace s3  }
0x95: {  	s3 =	sld [smem:$0x3FFD];
	_ =	sdelay $0x3  }
0x96: {  	_ =	strace s3  }
0x97: {  	_ =	strace $0x8FFFFFFF  }
0x98: {  	s19 =	sld [smem:$0x3FDB];
	_ =	sdelay $0x1  }
0x99: {  	s4 =	simm.s32 $_scs_section_size  }
0x9a: {  	s5 =	simm.s32 $_size__tile_overlayer_lowered;
	s6 =	simm.s32 $_tile_overlayer_lowered  }
0x9b: {  	s22 =	simm.s32 $0x1BFF;
	s21 =	sshll.u32 s6, $0x1;
	s3 =	sadd.s32 s4, s19  }
0x9c: {  	s7 =	simm.s32 $0x0;
	s20 =	sshll.u32 s5, $0x1;
	s5 =	sadd.s32 s21, s3  }
0x9d: {  	[timem:s7], [sflag:s22] =	dma.local [hbm:s5], s20  }
0x9e: {  	_ =	swait.ge [sflag:s22], s20  }
0x9f: {  	s4 =	ssub.s32 $0x0, s20;
	[sflag:s22] =	ssyncset.done $0x0  }
0xa0: {  	[sflag:s22] =	ssyncadd.s32 s4;
	_ =	sdelay $0x1  }
0xa1: {  	s23 =	simm.s32 $0x1B8B  }
0xa2: {  	_ =	swait.ge [sflag:s23], $0x1  }
0xa3: {  	[sflag:s23] =	ssyncset.done $0x0  }
0xa4: {  	s25 =	simm.s32 $0x1B8E;
	s24 =	sld [smem:$0x3FFE];
	[sflag:s23] =	ssyncadd.s32 $0xFFFFFFFF  }
0xa5: {  	s26 =	simm.s32 $execute0_lowered;
	[smem:$0x3FD2] =	sst s25  }
0xa6: {  	s5 =	sshll.u32 s26, $0x1;
	_ =	strace $0x80000049;
	[dreg:$0x1] =	wrdreg $0xFFFFFFFF  }
0xa7: {  	s28 =	simm.s32 $_size_execute0_lowered;
	s3 =	sadd.s32 s3, s5;
	[dreg:$0x0] =	wrdreg $0x0  }
0xa8: {  	s5 =	sshll.u32 s28, $0x1;
	[dreg:$0x2] =	wrdreg s3  }
0xa9: {  	[dreg:$0x3] =	wrdreg s5  }
0xaa: {  	[dreg:$0x4] =	wrdreg $0xC0  }
0xab: {  	_ =	task [dreg:s7], $0x5FFFF  }
0xac: {  	[dreg:$0x1] =	wrdreg $0xFFFFFFFF  }
0xad: {  	[dreg:$0x0] =	wrdreg $0x60  }
0xae: {  	[dreg:$0x2] =	wrdreg s24  }
0xaf: {  	[dreg:$0x3] =	wrdreg s2  }
0xb0: {  	[dreg:$0x4] =	wrdreg $0x9  }
0xb1: {  	_ =	task.clear_ibuf [dreg:s7], $0x5FFFF;
	_ =	strace $0x90000049  }
0xb2: {  	s29 =	simm.s32 $0x9;
	_ =	strace $0x8000004B  }
0xb3: {  	_ =	swait.ge [sflag:s29], $0x1  }
0xb4: {  	[sflag:s29] =	ssyncadd.s32 $0xFFFFFFFF  }
0xb5: {  	_ =	strace $0x9000004B  }
0xb6: {  	_ =	sfence  }
0xb7: {  	s30 =	sld [smem:$0x0];
	_ =	sdelay $0x2  }
0xb8: {  	s31 =	sshll.u32 s1, $0xD;
	s1 =	sshrl.u32 s1, $0x2  }
0xb9: {  	s3 =	sand.u32 $0x4000, s31;
	s1 =	sadd.s32 s1, s30  }
0xba: {  	s0 =	sor.u32 s3, s0;
	s1 =	sshll.u32 s1, $0x11  }
0xbb: {  	s0 =	sor.u32 s1, s0  }
0xbc: {  	s0 =	sadd.s32 $0x8F2B, s0  }
0xbd: {  	[sflag:s0] =	ssyncadd.remote.s32 $0x1  }
0xbe: {  	_ =	sfence.sel $0xFFFF  }
0xbf: {  	[dreg:$0x0] =	wrdreg $0xFFFFFFFF;
	(pc) =	sbr.abs _section_cstart, $3  }
0xc0: {  	[dreg:$0x1] =	wrdreg $0xFFFFFFFF  }
0xc1: {  	_ =	task.clear_ibuf [dreg:s7], $0x2FFFF;
	_ =	strace $0x9FFFFFFF  }
0xc2: {  	(tm) =	ssettm $0x7FFFFFFF  }
0xc3: {  	_ =	shalt  }
tec
execute0_lowered:
.L_overlay_start_1:
0x0: {  	(tag) =	ssettag $0x1  }
0x1: {  	s1 =	srdreg.scid  }
0x2: {  	s0 =	stileid.u32;
	s6 =	rddreg [dreg:$0x0]  }
0x3: {  	s4 =	rddreg [dreg:$0x1];
	s18 =	simm.s32 $0x880;
	s19 =	simm.s32 $0x1080  }
0x4: {  	s20 =	simm.s32 $0x1880;
	s22 =	simm.s32 $0x2080;
	s23 =	simm.s32 $0x2880  }
0x5: {  	s7 =	simm.s32 $0x3080;
	s24 =	simm.s32 $0x3880;
	s8 =	simm.s32 $0x4080  }
0x6: {  	s25 =	simm.s32 $0x4880;
	s26 =	simm.s32 $0x5080;
	s1 =	sand.u32 $0x1, s1  }
0x7: {  	s9 =	simm.s32 $0x80;
	s2 =	sshll.u32 s0, $0x7;
	s3 =	sshll.u32 s1, $0x6  }
0x8: {  	s11 =	simm.s32 $0x6080;
	s3 =	sor.u32 s3, s2;
	s2 =	simm.s32 $0x0  }
0x9: {  	s12 =	simm.s32 $0x6880;
	s13 =	simm.s32 $0x7080;
	[smem:$0x7FF] =	sst s2  }
0xa: {  	s14 =	simm.s32 $0x7880;
	_ =	strace $0x8000004A;
	[dreg:$0x5] =	wrdreg s18  }
0xb: {  	s15 =	simm.s32 $0x8080;
	s16 =	simm.s32 $0x8880;
	[dreg:$0x6] =	wrdreg s19  }
0xc: {  	s17 =	simm.s32 $0x9080;
	s28 =	simm.s32 $0xE080;
	[dreg:$0x7] =	wrdreg s20  }
0xd: {  	s29 =	simm.s32 $0xE880;
	s30 =	simm.s32 $0xF080;
	[dreg:$0x8] =	wrdreg s22  }
0xe: {  	s31 =	simm.s32 $0xF880;
	s1 =	ssub.s32 $0x2, s1;
	[dreg:$0x9] =	wrdreg s23  }
0xf: {  	s21 =	sshrl.u32 s1, $0x1;
	s5 =	sshrl.u32 s3, $0x3;
	[dreg:$0xa] =	wrdreg s7  }
0x10: {  	s3 =	sshll.u32 s3, $0x7;
	s1 =	ssub.s32 s1, s21;
	[dreg:$0xb] =	wrdreg s24  }
0x11: {  	s21 =	simm.s32 $0xB080;
	s5 =	sadd.s32 s5, s6;
	[dreg:$0xc] =	wrdreg s8  }
0x12: {  	s3 =	sadd.s32 s4, s3;
	s4 =	sadd.s32 $0x6A100, s6;
	[dreg:$0xd] =	wrdreg s25  }
0x13: {  	s7 =	smax.u32 s1, $0x1;
	s8 =	simm.s32 $0x2;
	[dreg:$0xe] =	wrdreg s26  }
0x14: {  	s18 =	simm.s32 $0x9880;
	s19 =	simm.s32 $0xA080;
	s20 =	simm.s32 $0xA880  }
0x15: {  	s22 =	simm.s32 $0xB880;
	s23 =	simm.s32 $0xC080;
	s24 =	simm.s32 $0xC880  }
0x16: {  	v2 =	vlaneseq.u32;
	s25 =	simm.s32 $0xD080;
	s26 =	simm.s32 $0xD880;
	s1 =	simm.s32 $0x1  }
0x17: {  	vm0 =	vmmov $0xffff;
	v1 =	vshrl.u32 v2, $0x3;
	s5 =	sadd.s32 $0x8800, s5;
	[dreg:$0x4] =	wrdreg s3;
	s3 =	sadd.s32 $0x6A000, s6  }
0x18: {  	v0 =	vand.u32 $0x7, v2;
	v2 =	vor.u32 $0x8, v2;
	v1 =	vmul.u32 $0x8, v1;
	[dreg:$0x3] =	wrdreg s5;
	s5 =	sadd.s32 $0x6A200, s6;
	s6 =	sadd.s32 $0x6A300, s6  }
.LBB2_1:
0x19: {  	s0 =	rddreg [dreg:$0x3]  }
0x1a: {  	[tilespmem:s2], [sflag:$0x2] =	stream.linear.gather [hbm4b:s0+s2], $0x40, $0x38;
	[tilespmem:$0x10080] =	vst v63  }
0x1b: {  	_ =	swait.ge [sflag:s8], $0x40  }
0x1c: {  	[sflag:s8] =	ssyncset.done $0x0  }
0x1d: {  	[sflag:s8] =	ssyncadd.s32 $0xFFFFFFC0  }
0x1e: {  	v3 =	vld [tilespmem:$0x0];
	_ =	sdelay $0x4  }
0x1f: {  	v4 =	vshll.u32 v3, $0x3  }
0x20: {  	v3 =	vand.u32 $0x7, v3;
	v4 =	vand.u32 $0xFFFFFFC0, v4  }
0x21: {  	v3 =	vor.u32 v3, v4  }
0x22: {  	v4 =	vperm.xlane v3, v0;
	_ =	sdelay $0x1  }
0x23: {  	v4 =	vadd.s32 v1, v4;
	_ =	sdelay $0x4  }
0x24: {  	[tilespmem:s9], [sflag:$0x1] =	stream.indirect_vreg.gather [hbm4b:s3+s2], $0x80, v4, vm0, $0xb8;
	[tilespmem:$0x10080] =	vst v63  }
0x25: {  	s0 =	rddreg [dreg:$0x5];
	v3 =	vperm.xlane v3, v2  }
0x26: {  	[tilespmem:s0], [sflag:$0x1] =	stream.indirect_vreg.gather [hbm4b:s4+s2], $0x80, v4, vm0, $0xb8;
	[tilespmem:$0x10080] =	vst v63  }
0x27: {  	s10 =	rddreg [dreg:$0x6];
	v3 =	vadd.s32 v1, v3  }
0x28: {  	[tilespmem:s10], [sflag:$0x1] =	stream.indirect_vreg.gather [hbm4b:s5+s2], $0x80, v4, vm0, $0xb8;
	[tilespmem:$0x10080] =	vst v63  }
0x29: {  	s0 =	rddreg [dreg:$0x7]  }
0x2a: {  	[tilespmem:s0], [sflag:$0x1] =	stream.indirect_vreg.gather [hbm4b:s6+s2], $0x80, v4, vm0, $0xb8;
	[tilespmem:$0x10080] =	vst v63  }
0x2b: {  	s10 =	rddreg [dreg:$0x8]  }
0x2c: {  	[tilespmem:s10], [sflag:$0x1] =	stream.indirect_vreg.gather [hbm4b:s3+s2], $0x80, v3, vm0, $0xb8;
	[tilespmem:$0x10080] =	vst v63  }
0x2d: {  	s0 =	rddreg [dreg:$0x9]  }
0x2e: {  	[tilespmem:s0], [sflag:$0x1] =	stream.indirect_vreg.gather [hbm4b:s4+s2], $0x80, v3, vm0, $0xb8;
	[tilespmem:$0x10080] =	vst v63  }
0x2f: {  	s10 =	rddreg [dreg:$0xa]  }
0x30: {  	[tilespmem:s10], [sflag:$0x1] =	stream.indirect_vreg.gather [hbm4b:s5+s2], $0x80, v3, vm0, $0xb8;
	[tilespmem:$0x10080] =	vst v63  }
0x31: {  	s0 =	rddreg [dreg:$0xb]  }
0x32: {  	[tilespmem:s0], [sflag:$0x1] =	stream.indirect_vreg.gather [hbm4b:s6+s2], $0x80, v3, vm0, $0xb8;
	[tilespmem:$0x10080] =	vst v63  }
0x33: {  	v3 =	vld [tilespmem:$0x10];
	_ =	sdelay $0x4  }
0x34: {  	v61 =	vshll.u32 v3, $0x3  }
0x35: {  	v3 =	vand.u32 $0x7, v3;
	v4 =	vand.u32 $0xFFFFFFC0, v61  }
0x36: {  	v3 =	vor.u32 v3, v4  }
0x37: {  	v4 =	vperm.xlane v3, v0;
	_ =	sdelay $0x1  }
0x38: {  	v4 =	vadd.s32 v1, v4;
	_ =	sdelay $0x3  }
0x39: {  	s0 =	rddreg [dreg:$0xc]  }
0x3a: {  	[tilespmem:s0], [sflag:$0x1] =	stream.indirect_vreg.gather [hbm4b:s3+s2], $0x80, v4, vm0, $0xb8;
	[tilespmem:$0x10080] =	vst v63  }
0x3b: {  	s10 =	rddreg [dreg:$0xd];
	v3 =	vperm.xlane v3, v2  }
0x3c: {  	[tilespmem:s10], [sflag:$0x1] =	stream.indirect_vreg.gather [hbm4b:s4+s2], $0x80, v4, vm0, $0xb8;
	[tilespmem:$0x10080] =	vst v63  }
0x3d: {  	v3 =	vadd.s32 v1, v3;
	s0 =	rddreg [dreg:$0xe]  }
0x3e: {  	[tilespmem:s0], [sflag:$0x1] =	stream.indirect_vreg.gather [hbm4b:s5+s2], $0x80, v4, vm0, $0xb8;
	[tilespmem:$0x10080] =	vst v63  }
0x3f: {  	s10 =	simm.s32 $0x5880  }
0x40: {  	[tilespmem:s10], [sflag:$0x1] =	stream.indirect_vreg.gather [hbm4b:s6+s2], $0x80, v4, vm0, $0xb8;
	[tilespmem:$0x10080] =	vst v63  }
0x41: {  	_ = 	snop  }
0x42: {  	[tilespmem:s11], [sflag:$0x1] =	stream.indirect_vreg.gather [hbm4b:s3+s2], $0x80, v3, vm0, $0xb8;
	[tilespmem:$0x10080] =	vst v63  }
0x43: {  	_ = 	snop  }
0x44: {  	[tilespmem:s12], [sflag:$0x1] =	stream.indirect_vreg.gather [hbm4b:s4+s2], $0x80, v3, vm0, $0xb8;
	[tilespmem:$0x10080] =	vst v63  }
0x45: {  	_ = 	snop  }
0x46: {  	[tilespmem:s13], [sflag:$0x1] =	stream.indirect_vreg.gather [hbm4b:s5+s2], $0x80, v3, vm0, $0xb8;
	[tilespmem:$0x10080] =	vst v63  }
0x47: {  	_ = 	snop  }
0x48: {  	[tilespmem:s14], [sflag:$0x1] =	stream.indirect_vreg.gather [hbm4b:s6+s2], $0x80, v3, vm0, $0xb8;
	[tilespmem:$0x10080] =	vst v63  }
0x49: {  	v3 =	vld [tilespmem:$0x20];
	_ =	sdelay $0x4  }
0x4a: {  	v62 =	vshll.u32 v3, $0x3  }
0x4b: {  	v3 =	vand.u32 $0x7, v3;
	v4 =	vand.u32 $0xFFFFFFC0, v62  }
0x4c: {  	v3 =	vor.u32 v3, v4  }
0x4d: {  	v4 =	vperm.xlane v3, v0;
	_ =	sdelay $0x1  }
0x4e: {  	v4 =	vadd.s32 v1, v4;
	_ =	sdelay $0x4  }
0x4f: {  	[tilespmem:s15], [sflag:$0x1] =	stream.indirect_vreg.gather [hbm4b:s3+s2], $0x80, v4, vm0, $0xb8;
	[tilespmem:$0x10080] =	vst v63  }
0x50: {  	v3 =	vperm.xlane v3, v2  }
0x51: {  	[tilespmem:s16], [sflag:$0x1] =	stream.indirect_vreg.gather [hbm4b:s4+s2], $0x80, v4, vm0, $0xb8;
	[tilespmem:$0x10080] =	vst v63  }
0x52: {  	v3 =	vadd.s32 v1, v3  }
0x53: {  	[tilespmem:s17], [sflag:$0x1] =	stream.indirect_vreg.gather [hbm4b:s5+s2], $0x80, v4, vm0, $0xb8;
	[tilespmem:$0x10080] =	vst v63  }
0x54: {  	_ = 	snop  }
0x55: {  	[tilespmem:s18], [sflag:$0x1] =	stream.indirect_vreg.gather [hbm4b:s6+s2], $0x80, v4, vm0, $0xb8;
	[tilespmem:$0x10080] =	vst v63  }
0x56: {  	_ = 	snop  }
0x57: {  	[tilespmem:s19], [sflag:$0x1] =	stream.indirect_vreg.gather [hbm4b:s3+s2], $0x80, v3, vm0, $0xb8;
	[tilespmem:$0x10080] =	vst v63  }
0x58: {  	_ = 	snop  }
0x59: {  	[tilespmem:s20], [sflag:$0x1] =	stream.indirect_vreg.gather [hbm4b:s4+s2], $0x80, v3, vm0, $0xb8;
	[tilespmem:$0x10080] =	vst v63  }
0x5a: {  	_ = 	snop  }
0x5b: {  	[tilespmem:s21], [sflag:$0x1] =	stream.indirect_vreg.gather [hbm4b:s5+s2], $0x80, v3, vm0, $0xb8;
	[tilespmem:$0x10080] =	vst v63  }
0x5c: {  	_ = 	snop  }
0x5d: {  	[tilespmem:s22], [sflag:$0x1] =	stream.indirect_vreg.gather [hbm4b:s6+s2], $0x80, v3, vm0, $0xb8;
	[tilespmem:$0x10080] =	vst v63  }
0x5e: {  	v3 =	vld [tilespmem:$0x30];
	_ =	sdelay $0x4  }
0x5f: {  	v63 =	vshll.u32 v3, $0x3  }
0x60: {  	v3 =	vand.u32 $0x7, v3;
	v4 =	vand.u32 $0xFFFFFFC0, v63  }
0x61: {  	v3 =	vor.u32 v3, v4  }
0x62: {  	v4 =	vperm.xlane v3, v0;
	_ =	sdelay $0x1  }
0x63: {  	v4 =	vadd.s32 v1, v4;
	_ =	sdelay $0x4  }
0x64: {  	[tilespmem:s23], [sflag:$0x1] =	stream.indirect_vreg.gather [hbm4b:s3+s2], $0x80, v4, vm0, $0xb8;
	[tilespmem:$0x10080] =	vst v63  }
0x65: {  	v3 =	vperm.xlane v3, v2  }
0x66: {  	[tilespmem:s24], [sflag:$0x1] =	stream.indirect_vreg.gather [hbm4b:s4+s2], $0x80, v4, vm0, $0xb8;
	[tilespmem:$0x10080] =	vst v63  }
0x67: {  	v3 =	vadd.s32 v1, v3  }
0x68: {  	[tilespmem:s25], [sflag:$0x1] =	stream.indirect_vreg.gather [hbm4b:s5+s2], $0x80, v4, vm0, $0xb8;
	[tilespmem:$0x10080] =	vst v63  }
0x69: {  	_ = 	snop  }
0x6a: {  	[tilespmem:s26], [sflag:$0x1] =	stream.indirect_vreg.gather [hbm4b:s6+s2], $0x80, v4, vm0, $0xb8;
	[tilespmem:$0x10080] =	vst v63  }
0x6b: {  	_ = 	snop  }
0x6c: {  	[tilespmem:s28], [sflag:$0x1] =	stream.indirect_vreg.gather [hbm4b:s3+s2], $0x80, v3, vm0, $0xb8;
	[tilespmem:$0x10080] =	vst v63  }
0x6d: {  	_ = 	snop  }
0x6e: {  	[tilespmem:s29], [sflag:$0x1] =	stream.indirect_vreg.gather [hbm4b:s4+s2], $0x80, v3, vm0, $0xb8;
	[tilespmem:$0x10080] =	vst v63  }
0x6f: {  	_ = 	snop  }
0x70: {  	[tilespmem:s30], [sflag:$0x1] =	stream.indirect_vreg.gather [hbm4b:s5+s2], $0x80, v3, vm0, $0xb8;
	[tilespmem:$0x10080] =	vst v63  }
0x71: {  	_ = 	snop  }
0x72: {  	[tilespmem:s31], [sflag:$0x1] =	stream.indirect_vreg.gather [hbm4b:s6+s2], $0x80, v3, vm0, $0xb8;
	[tilespmem:$0x10080] =	vst v63  }
0x73: {  	_ =	swait.ge [sflag:s1], $0x10000  }
0x74: {  	p0 =	sne.s32 s7, $0x1;
	[sflag:s1] =	ssyncset.done $0x0  }
.Ltmp0:
0x75: {  	s10 =	rddreg [dreg:$0x4];
	[sflag:s1] =	ssyncadd.s32 $0xFFFF0000;
	(pc) =	sbr.rel @p0 .LBB2_1-.Ltmp0, $4  }
0x76: {  	[hbm4b:s10+s2] =	stream.linear.scatter [tilespmem:s9], [sflag:$0x2], $0x10000, $0x38;
	[tilespmem:$0x10080] =	vst v63  }
0x77: {  	_ =	swait.ge [sflag:s8], $0x10000  }
0x78: {  	[sflag:s8] =	ssyncset.done $0x0  }
0x79: {  	s7 =	sadd.s32 $0xFFFFFFFF, s7;
	[sflag:s8] =	ssyncadd.s32 $0xFFFF0000  }
0x7a: {  	_ =	sfence.sel $0x180000  }
0x7b: {  	[bflag:$0x0] =	sbarrier.arrive $0xFFFF  }
0x7c: {  	_ =	strace $0x9000004A  }
0x7d: {  	s0 =	stileid.u32;
	[bflag:$0x2] =	sbarrier.arrive $0xFFFF  }
0x7e: {  	p0 =	sne.s32 s0, $0x0;
	s0 =	rddreg [dreg:$0x2]  }
0x7f: {  	s0 =	sadd.s32 @!p0 $0x100000, s0  }
0x80: {  	[sflag:s0] =	ssyncadd.tile.s32 @!p0 $0x1;
	_ =	shalt  }
.Lfunc_end2:
_tile_overlayer_lowered:
.L_overlay_start_2:
0x81: {  	(tag) =	ssettag $0x2  }
0x82: {  	s0 =	rddreg [dreg:$0x0];
	s2 =	stileid.u32  }
0x83: {  	s1 =	rddreg [dreg:$0x1];
	p0 =	sne.s32 s2, $0x0  }
0x84: {  	s3 =	rddreg [dreg:$0x2];
	[bflag:$0x3] =	sbarrier.arrive $0xFFFF;
	s2 =	simm.s32 @!p0 $0x1C02  }
0x85: {  	[timem:s3], [sflag:s2] =	dma.local @!p0 [hbm:s0], s1  }
0x86: {  	s0 =	simm.s32 @!p0 $0x2  }
0x87: {  	_ =	swait.ge @!p0 [sflag:s0], s1  }
0x88: {  	s1 =	ssub.s32 @!p0 $0x0, s1;
	[sflag:s0] =	ssyncset.done @!p0 $0x0  }
0x89: {  	[sflag:s0] =	ssyncadd.s32 @!p0 s1  }
0x8a: {  	[bflag:$0x3] =	sbarrier.arrive $0xFFFF  }
0x8b: {  	_ =	shalt  }

</sc_bundles>
